<compile_context>
chip_gen: v7x
topology: tpu7x:2x2x1
jax: 0.10.2.dev20260603
libtpu: 0.0.44.dev20260713+nightly
codegen_flags: <defaults>
</compile_context>

<pallas_src>
import functools

import jax
import jax.numpy as jnp
from jax import lax
from jax.experimental import pallas as pl
from jax.experimental.pallas import tpu as pltpu
from jax.experimental.pallas import tpu_sc as plsc

N, D, M, C, K = 2048, 1024, 512, 64, 16
CK = C * K
NT = 256
GRID = N // NT
NW = 32
NPW = N // NW
MV = M // 16


def _lut_norms_body(p_ref, b_ref, lut_ref, norms_ref):
    p = p_ref[...]
    lut_ref[...] = lax.dot_general(
        p, b_ref[...], (((1,), (0,)), ((), ())),
        preferred_element_type=jnp.float32,
        precision=lax.Precision.DEFAULT)
    norms_ref[...] = jnp.sum(p * p, axis=1, keepdims=True)


def _encode_body(p_ref, at_ref, norms_ref, codes_ref):
    scores = lax.dot_general(
        p_ref[...], at_ref[...], (((1,), (0,)), ((), ())),
        preferred_element_type=jnp.float32,
        precision=lax.Precision.DEFAULT)
    fit = 2.0 * scores - norms_ref[...]
    fit3 = fit.reshape(C, K, NT)
    maxv = jnp.max(fit3, axis=1, keepdims=True)
    kio = lax.broadcasted_iota(jnp.int32, (C, K, NT), 1)
    ksel = jnp.min(jnp.where(fit3 == maxv, kio, K), axis=1)
    cio = lax.broadcasted_iota(jnp.int32, (C, NT), 0)
    codes_ref[...] = ksel + K * cio


def _agg_body(idx_hbm, lut_hbm, out_hbm, idx_v, buf_v, out_v, sem):
    wid = lax.axis_index("s") * 2 + lax.axis_index("c")
    base = wid * NPW
    pltpu.sync_copy(idx_hbm.at[pl.ds(base, NPW)], idx_v)

    def row_body(r, carry):
        pltpu.async_copy(lut_hbm.at[idx_v.at[r]], buf_v, sem).wait()

        def acc_body(t, acc):
            return tuple(acc[j] + buf_v[t, pl.ds(j * 16, 16)] for j in range(MV))

        acc0 = tuple(jnp.zeros((16,), jnp.float32) for _ in range(MV))
        acc = lax.fori_loop(0, C, acc_body, acc0)
        for j in range(MV):
            out_v[r, pl.ds(j * 16, 16)] = acc[j]
        return carry

    lax.fori_loop(0, NPW, row_body, 0)
    pltpu.sync_copy(out_v, out_hbm.at[pl.ds(base, NPW)])


@jax.jit
def kernel(A, B, prototypes):
    P = prototypes.reshape(CK, D)
    lut, norms = pl.pallas_call(
        _lut_norms_body,
        out_shape=(jax.ShapeDtypeStruct((CK, M), jnp.float32),
                   jax.ShapeDtypeStruct((CK, 1), jnp.float32)),
    )(P, B)
    A_T = A.T
    codes_T = pl.pallas_call(
        _encode_body,
        grid=(GRID,),
        in_specs=[
            pl.BlockSpec((CK, D), lambda i: (0, 0)),
            pl.BlockSpec((D, NT), lambda i: (0, i)),
            pl.BlockSpec((CK, 1), lambda i: (0, 0)),
        ],
        out_specs=pl.BlockSpec((C, NT), lambda i: (0, i)),
        out_shape=jax.ShapeDtypeStruct((C, N), jnp.int32),
    )(P, A_T, norms)
    flat_idx = codes_T.T

    agg = pl.kernel(
        _agg_body,
        out_type=jax.ShapeDtypeStruct((N, M), jnp.float32),
        mesh=plsc.VectorSubcoreMesh(core_axis_name="c", subcore_axis_name="s"),
        scratch_types=[
            pltpu.VMEM((NPW, C), jnp.int32),
            pltpu.VMEM((C, M), jnp.float32),
            pltpu.VMEM((NPW, M), jnp.float32),
            pltpu.SemaphoreType.DMA,
        ],
    )
    return agg(flat_idx, lut)

# --- scband reference (transcript-rebuilt; emitter-appended) ---
"""Pipeline reference for scband-maddness-matmul-9878424781354 (READ-ONLY COPY).

The authoritative reference and input builder live on the scoring server;
editing this copy changes nothing except your own understanding.
"""

import jax, jax.numpy as jnp
import numpy as np

N, D, M, C, K = 2048, 1024, 512, 64, 16


def setup_inputs(seed: int = 0) -> dict:
    key = jax.random.key(seed)
    k1, k2, k3 = jax.random.split(key, 3)
    A = jax.random.normal(k1, (N, D), dtype=jnp.float32)
    B = jax.random.normal(k2, (D, M), dtype=jnp.float32)
    # Learned prototypes: full-D vectors that are zero outside each codebook's subspace
    # (mirrors init_and_learn_hash_function, where all_prototypes[c, b] only has
    #  support on that codebook's column range idxs).
    sub = D // C
    protos_sub = jax.random.normal(k3, (C, K, sub), dtype=jnp.float32)
    c_idx = jnp.arange(C)[:, None, None]
    k_idx = jnp.arange(K)[None, :, None]
    d_idx = (jnp.arange(C) * sub)[:, None, None] + jnp.arange(sub)[None, None, :]
    prototypes = jnp.zeros((C, K, D), dtype=jnp.float32).at[c_idx, k_idx, d_idx].set(protos_sub)
    return {"A": A, "B": B, "prototypes": prototypes}


def reference(A, B, prototypes):
    # MADDNESS-style approximate matmul A @ B using learned prototypes.
    # 1) Encode: assign each row of A, per codebook c, to its best prototype
    #    (argmin reconstruction error within the codebook subspace; since prototypes
    #    are zero outside their subspace, this is argmax of 2*<a,p> - ||p||^2).
    Cn, Kn, Dn = prototypes.shape
    P = prototypes.reshape(Cn * Kn, Dn)           # [C*K, D]
    scores = A @ P.T                               # [N, C*K]
    norms = jnp.sum(P * P, axis=1)                 # [C*K]
    fit = (2.0 * scores - norms[None, :]).reshape(A.shape[0], Cn, Kn)
    A_enc = jnp.argmax(fit, axis=2)                # [N, C] int codes (maddness_encode)
    # 2) Build LUTs for each column of B: maddness_lut(q, all_prototypes) = (q * protos).sum(axis=2)
    luts = jnp.einsum('dm,ckd->mck', B, prototypes)  # [M, C, K]
    # 3) Aggregate: out[n, m] = sum_c luts[m, c, A_enc[n, c]] (LUT gather-accumulate)
    lut_t = jnp.transpose(luts, (1, 2, 0))         # [C, K, M]
    gathered = lut_t[jnp.arange(Cn)[None, :], A_enc]  # [N, C, M] gather by codes
    out = gathered.sum(axis=1)                     # [N, M]
    return out

if __name__ == "__main__":
    import jax
    _d = setup_inputs()
    print(jax.jit(kernel)(*tuple(_d.values())))

</pallas_src>

<mosaic_0001>
#map = affine_map<(d0, d1) -> (0, 0)>
module attributes {stable_mosaic.version = 14 : i64} {
  func.func @_agg_body(%arg0: i32, %arg1: i32, %arg2: memref<2048x64xi32, #tpu.memory_space<hbm>>, %arg3: memref<1024x512xf32, #tpu.memory_space<hbm>>, %arg4: memref<2048x512xf32, #tpu.memory_space<hbm>>, %arg5: memref<64x64xi32, #tpu.memory_space<vmem>>, %arg6: memref<64x512xf32, #tpu.memory_space<vmem>>, %arg7: memref<64x512xf32, #tpu.memory_space<vmem>>, %arg8: memref<!tpu.dma_semaphore, #tpu.memory_space<semaphore_mem>>) attributes {dimension_semantics = [#tpu.dimension_semantics<core_parallel>, #tpu.dimension_semantics<subcore_parallel>], iteration_bounds = array<i64: 2, 16>, scalar_prefetch = 0 : i64, scratch_operands = 4 : i64, tpu.core_type = #tpu.core_type<sc_vector_subcore>, window_params = [{transform_indices = #map}, {transform_indices = #map}, {transform_indices = #map}]} {
    %mul3A = arith.constant 2 : i32
    %mul3A_0 = arith.muli %arg1, %mul3A : i32
    %add3A = arith.addi %mul3A_0, %arg0 : i32
    %mul3A_1 = arith.constant 64 : i32
    %mul3A_2 = arith.muli %add3A, %mul3A_1 : i32
    "tpu.region"() ({
      %run_scoped3A = tpu.sem_alloc : memref<!tpu.dma_semaphore, #tpu.memory_space<semaphore_mem>>
      %dma_start3A = arith.constant 0 : i32
      %dma_start3A_8 = tpu.memref_slice %arg2[%mul3A_2, %dma_start3A] : memref<2048x64xi32, #tpu.memory_space<hbm>> -> memref<64x64xi32, #tpu.memory_space<hbm>>
      %dma_start3A_9 = arith.constant 0 : i32
      %dma_start3A_10 = tpu.memref_slice %arg2[%mul3A_2, %dma_start3A_9] : memref<2048x64xi32, #tpu.memory_space<hbm>> -> memref<64x64xi32, #tpu.memory_space<hbm>>
      tpu.enqueue_dma source(%dma_start3A_10 : memref<64x64xi32, #tpu.memory_space<hbm>>) target(%arg5 : memref<64x64xi32, #tpu.memory_space<vmem>>) target_semaphore(%run_scoped3A : memref<!tpu.dma_semaphore, #tpu.memory_space<semaphore_mem>>)
      %dma_wait3A = arith.constant 0 : i32
      %dma_wait3A_11 = tpu.memref_slice %arg2[%mul3A_2, %dma_wait3A] : memref<2048x64xi32, #tpu.memory_space<hbm>> -> memref<64x64xi32, #tpu.memory_space<hbm>>
      %dma_wait3A_12 = arith.constant 0 : i32
      %dma_wait3A_13 = tpu.memref_slice %arg2[%mul3A_2, %dma_wait3A_12] : memref<2048x64xi32, #tpu.memory_space<hbm>> -> memref<64x64xi32, #tpu.memory_space<hbm>>
      tpu.wait_dma2 semaphore(%run_scoped3A : memref<!tpu.dma_semaphore, #tpu.memory_space<semaphore_mem>>) src(%dma_wait3A_13 : memref<64x64xi32, #tpu.memory_space<hbm>>) dst(%arg5 : memref<64x64xi32, #tpu.memory_space<vmem>>)
      tpu.yield
    }) : () -> ()
    %scan3A = arith.constant 0 : i32
    %scan3A_3 = arith.constant 0 : i32
    %scan3A_4 = arith.constant 64 : i32
    %scan3A_5 = arith.addi %scan3A_3, %scan3A_4 : i32
    %scan3A_6 = arith.constant 1 : i32
    scf.for %scan3A_8 = %scan3A_3 to %scan3A_5 step %scan3A_6  : i32 {
      %dma_start3A = arith.constant 0 : i32
      %dma_start3A_9 = tpu.memref_slice %arg5[%scan3A_8, %dma_start3A] : memref<64x64xi32, #tpu.memory_space<vmem>> -> memref<1x64xi32, #tpu.memory_space<vmem>>
      %dma_start3A_10 = tpu.memref_squeeze %dma_start3A_9 : memref<1x64xi32, #tpu.memory_space<vmem>> -> memref<64xi32, #tpu.memory_space<vmem>>
      %dma_start3A_11 = arith.constant 0 : i32
      %dma_start3A_12 = arith.constant 0 : i32
      %dma_start3A_13 = tpu.memref_slice %arg3[%dma_start3A_11, %dma_start3A_12] : memref<1024x512xf32, #tpu.memory_space<hbm>> -> memref<1024x512xf32, #tpu.memory_space<hbm>>
      tpu.enqueue_indirect_dma source(%dma_start3A_13 : memref<1024x512xf32, #tpu.memory_space<hbm>>) target(%arg6 : memref<64x512xf32, #tpu.memory_space<vmem>>) offsets(%dma_start3A_10 : memref<64xi32, #tpu.memory_space<vmem>>) semaphore(%arg8 : memref<!tpu.dma_semaphore, #tpu.memory_space<semaphore_mem>>)
      %dma_wait3A = arith.constant 0 : i32
      %dma_wait3A_14 = tpu.memref_slice %arg5[%scan3A_8, %dma_wait3A] : memref<64x64xi32, #tpu.memory_space<vmem>> -> memref<1x64xi32, #tpu.memory_space<vmem>>
      %dma_wait3A_15 = tpu.memref_squeeze %dma_wait3A_14 : memref<1x64xi32, #tpu.memory_space<vmem>> -> memref<64xi32, #tpu.memory_space<vmem>>
      %dma_wait3A_16 = arith.constant 0 : i32
      %dma_wait3A_17 = arith.constant 0 : i32
      %dma_wait3A_18 = tpu.memref_slice %arg3[%dma_wait3A_16, %dma_wait3A_17] : memref<1024x512xf32, #tpu.memory_space<hbm>> -> memref<1024x512xf32, #tpu.memory_space<hbm>>
      tpu.wait_indirect_dma semaphore(%arg8 : memref<!tpu.dma_semaphore, #tpu.memory_space<semaphore_mem>>) src(%dma_wait3A_18 : memref<1024x512xf32, #tpu.memory_space<hbm>>) dst(%arg6 : memref<64x512xf32, #tpu.memory_space<vmem>>)
      %broadcast_in_dim3A = arith.constant 0.000000e+00 : f32
      %broadcast_in_dim3A_19 = vector.broadcast %broadcast_in_dim3A : f32 to vector<16xf32>
      %broadcast_in_dim3A_20 = arith.constant 0.000000e+00 : f32
      %broadcast_in_dim3A_21 = vector.broadcast %broadcast_in_dim3A_20 : f32 to vector<16xf32>
      %broadcast_in_dim3A_22 = arith.constant 0.000000e+00 : f32
      %broadcast_in_dim3A_23 = vector.broadcast %broadcast_in_dim3A_22 : f32 to vector<16xf32>
      %broadcast_in_dim3A_24 = arith.constant 0.000000e+00 : f32
      %broadcast_in_dim3A_25 = vector.broadcast %broadcast_in_dim3A_24 : f32 to vector<16xf32>
      %broadcast_in_dim3A_26 = arith.constant 0.000000e+00 : f32
      %broadcast_in_dim3A_27 = vector.broadcast %broadcast_in_dim3A_26 : f32 to vector<16xf32>
      %broadcast_in_dim3A_28 = arith.constant 0.000000e+00 : f32
      %broadcast_in_dim3A_29 = vector.broadcast %broadcast_in_dim3A_28 : f32 to vector<16xf32>
      %broadcast_in_dim3A_30 = arith.constant 0.000000e+00 : f32
      %broadcast_in_dim3A_31 = vector.broadcast %broadcast_in_dim3A_30 : f32 to vector<16xf32>
      %broadcast_in_dim3A_32 = arith.constant 0.000000e+00 : f32
      %broadcast_in_dim3A_33 = vector.broadcast %broadcast_in_dim3A_32 : f32 to vector<16xf32>
      %broadcast_in_dim3A_34 = arith.constant 0.000000e+00 : f32
      %broadcast_in_dim3A_35 = vector.broadcast %broadcast_in_dim3A_34 : f32 to vector<16xf32>
      %broadcast_in_dim3A_36 = arith.constant 0.000000e+00 : f32
      %broadcast_in_dim3A_37 = vector.broadcast %broadcast_in_dim3A_36 : f32 to vector<16xf32>
      %broadcast_in_dim3A_38 = arith.constant 0.000000e+00 : f32
      %broadcast_in_dim3A_39 = vector.broadcast %broadcast_in_dim3A_38 : f32 to vector<16xf32>
      %broadcast_in_dim3A_40 = arith.constant 0.000000e+00 : f32
      %broadcast_in_dim3A_41 = vector.broadcast %broadcast_in_dim3A_40 : f32 to vector<16xf32>
      %broadcast_in_dim3A_42 = arith.constant 0.000000e+00 : f32
      %broadcast_in_dim3A_43 = vector.broadcast %broadcast_in_dim3A_42 : f32 to vector<16xf32>
      %broadcast_in_dim3A_44 = arith.constant 0.000000e+00 : f32
      %broadcast_in_dim3A_45 = vector.broadcast %broadcast_in_dim3A_44 : f32 to vector<16xf32>
      %broadcast_in_dim3A_46 = arith.constant 0.000000e+00 : f32
      %broadcast_in_dim3A_47 = vector.broadcast %broadcast_in_dim3A_46 : f32 to vector<16xf32>
      %broadcast_in_dim3A_48 = arith.constant 0.000000e+00 : f32
      %broadcast_in_dim3A_49 = vector.broadcast %broadcast_in_dim3A_48 : f32 to vector<16xf32>
      %broadcast_in_dim3A_50 = arith.constant 0.000000e+00 : f32
      %broadcast_in_dim3A_51 = vector.broadcast %broadcast_in_dim3A_50 : f32 to vector<16xf32>
      %broadcast_in_dim3A_52 = arith.constant 0.000000e+00 : f32
      %broadcast_in_dim3A_53 = vector.broadcast %broadcast_in_dim3A_52 : f32 to vector<16xf32>
      %broadcast_in_dim3A_54 = arith.constant 0.000000e+00 : f32
      %broadcast_in_dim3A_55 = vector.broadcast %broadcast_in_dim3A_54 : f32 to vector<16xf32>
      %broadcast_in_dim3A_56 = arith.constant 0.000000e+00 : f32
      %broadcast_in_dim3A_57 = vector.broadcast %broadcast_in_dim3A_56 : f32 to vector<16xf32>
      %broadcast_in_dim3A_58 = arith.constant 0.000000e+00 : f32
      %broadcast_in_dim3A_59 = vector.broadcast %broadcast_in_dim3A_58 : f32 to vector<16xf32>
      %broadcast_in_dim3A_60 = arith.constant 0.000000e+00 : f32
      %broadcast_in_dim3A_61 = vector.broadcast %broadcast_in_dim3A_60 : f32 to vector<16xf32>
      %broadcast_in_dim3A_62 = arith.constant 0.000000e+00 : f32
      %broadcast_in_dim3A_63 = vector.broadcast %broadcast_in_dim3A_62 : f32 to vector<16xf32>
      %broadcast_in_dim3A_64 = arith.constant 0.000000e+00 : f32
      %broadcast_in_dim3A_65 = vector.broadcast %broadcast_in_dim3A_64 : f32 to vector<16xf32>
      %broadcast_in_dim3A_66 = arith.constant 0.000000e+00 : f32
      %broadcast_in_dim3A_67 = vector.broadcast %broadcast_in_dim3A_66 : f32 to vector<16xf32>
      %broadcast_in_dim3A_68 = arith.constant 0.000000e+00 : f32
      %broadcast_in_dim3A_69 = vector.broadcast %broadcast_in_dim3A_68 : f32 to vector<16xf32>
      %broadcast_in_dim3A_70 = arith.constant 0.000000e+00 : f32
      %broadcast_in_dim3A_71 = vector.broadcast %broadcast_in_dim3A_70 : f32 to vector<16xf32>
      %broadcast_in_dim3A_72 = arith.constant 0.000000e+00 : f32
      %broadcast_in_dim3A_73 = vector.broadcast %broadcast_in_dim3A_72 : f32 to vector<16xf32>
      %broadcast_in_dim3A_74 = arith.constant 0.000000e+00 : f32
      %broadcast_in_dim3A_75 = vector.broadcast %broadcast_in_dim3A_74 : f32 to vector<16xf32>
      %broadcast_in_dim3A_76 = arith.constant 0.000000e+00 : f32
      %broadcast_in_dim3A_77 = vector.broadcast %broadcast_in_dim3A_76 : f32 to vector<16xf32>
      %broadcast_in_dim3A_78 = arith.constant 0.000000e+00 : f32
      %broadcast_in_dim3A_79 = vector.broadcast %broadcast_in_dim3A_78 : f32 to vector<16xf32>
      %broadcast_in_dim3A_80 = arith.constant 0.000000e+00 : f32
      %broadcast_in_dim3A_81 = vector.broadcast %broadcast_in_dim3A_80 : f32 to vector<16xf32>
      %scan3A_82 = arith.constant 0 : i32
      %scan3A_83 = arith.constant 64 : i32
      %scan3A_84 = arith.addi %scan3A_82, %scan3A_83 : i32
      %scan3A_85 = arith.constant 1 : i32
      %scan3A_86:32 = scf.for %scan3A_247 = %scan3A_82 to %scan3A_84 step %scan3A_85 iter_args(%scan3A_248 = %broadcast_in_dim3A_19, %scan3A_249 = %broadcast_in_dim3A_21, %scan3A_250 = %broadcast_in_dim3A_23, %scan3A_251 = %broadcast_in_dim3A_25, %scan3A_252 = %broadcast_in_dim3A_27, %scan3A_253 = %broadcast_in_dim3A_29, %scan3A_254 = %broadcast_in_dim3A_31, %scan3A_255 = %broadcast_in_dim3A_33, %scan3A_256 = %broadcast_in_dim3A_35, %scan3A_257 = %broadcast_in_dim3A_37, %scan3A_258 = %broadcast_in_dim3A_39, %scan3A_259 = %broadcast_in_dim3A_41, %scan3A_260 = %broadcast_in_dim3A_43, %scan3A_261 = %broadcast_in_dim3A_45, %scan3A_262 = %broadcast_in_dim3A_47, %scan3A_263 = %broadcast_in_dim3A_49, %scan3A_264 = %broadcast_in_dim3A_51, %scan3A_265 = %broadcast_in_dim3A_53, %scan3A_266 = %broadcast_in_dim3A_55, %scan3A_267 = %broadcast_in_dim3A_57, %scan3A_268 = %broadcast_in_dim3A_59, %scan3A_269 = %broadcast_in_dim3A_61, %scan3A_270 = %broadcast_in_dim3A_63, %scan3A_271 = %broadcast_in_dim3A_65, %scan3A_272 = %broadcast_in_dim3A_67, %scan3A_273 = %broadcast_in_dim3A_69, %scan3A_274 = %broadcast_in_dim3A_71, %scan3A_275 = %broadcast_in_dim3A_73, %scan3A_276 = %broadcast_in_dim3A_75, %scan3A_277 = %broadcast_in_dim3A_77, %scan3A_278 = %broadcast_in_dim3A_79, %scan3A_279 = %broadcast_in_dim3A_81) -> (vector<16xf32>, vector<16xf32>, vector<16xf32>, vector<16xf32>, vector<16xf32>, vector<16xf32>, vector<16xf32>, vector<16xf32>, vector<16xf32>, vector<16xf32>, vector<16xf32>, vector<16xf32>, vector<16xf32>, vector<16xf32>, vector<16xf32>, vector<16xf32>, vector<16xf32>, vector<16xf32>, vector<16xf32>, vector<16xf32>, vector<16xf32>, vector<16xf32>, vector<16xf32>, vector<16xf32>, vector<16xf32>, vector<16xf32>, vector<16xf32>, vector<16xf32>, vector<16xf32>, vector<16xf32>, vector<16xf32>, vector<16xf32>)  : i32 {
        %get3A = arith.index_cast %scan3A_247 : i32 to index
        %get3A_280 = arith.constant 0 : index
        %get3A_281 = tpu.vector_load %arg6[%get3A, %get3A_280] {strides = array<i32>} : memref<64x512xf32, #tpu.memory_space<vmem>>, vector<1x16xf32>,
        %get3A_282 = vector.shape_cast %get3A_281 : vector<1x16xf32> to vector<16xf32>
        %add3A_283 = arith.addf %scan3A_248, %get3A_282 : vector<16xf32>
        %get3A_284 = arith.index_cast %scan3A_247 : i32 to index
        %get3A_285 = arith.constant 16 : index
        %get3A_286 = tpu.vector_load %arg6[%get3A_284, %get3A_285] {strides = array<i32>} : memref<64x512xf32, #tpu.memory_space<vmem>>, vector<1x16xf32>,
        %get3A_287 = vector.shape_cast %get3A_286 : vector<1x16xf32> to vector<16xf32>
        %add3A_288 = arith.addf %scan3A_249, %get3A_287 : vector<16xf32>
        %get3A_289 = arith.index_cast %scan3A_247 : i32 to index
        %get3A_290 = arith.constant 32 : index
        %get3A_291 = tpu.vector_load %arg6[%get3A_289, %get3A_290] {strides = array<i32>} : memref<64x512xf32, #tpu.memory_space<vmem>>, vector<1x16xf32>,
        %get3A_292 = vector.shape_cast %get3A_291 : vector<1x16xf32> to vector<16xf32>
        %add3A_293 = arith.addf %scan3A_250, %get3A_292 : vector<16xf32>
        %get3A_294 = arith.index_cast %scan3A_247 : i32 to index
        %get3A_295 = arith.constant 48 : index
        %get3A_296 = tpu.vector_load %arg6[%get3A_294, %get3A_295] {strides = array<i32>} : memref<64x512xf32, #tpu.memory_space<vmem>>, vector<1x16xf32>,
        %get3A_297 = vector.shape_cast %get3A_296 : vector<1x16xf32> to vector<16xf32>
        %add3A_298 = arith.addf %scan3A_251, %get3A_297 : vector<16xf32>
        %get3A_299 = arith.index_cast %scan3A_247 : i32 to index
        %get3A_300 = arith.constant 64 : index
        %get3A_301 = tpu.vector_load %arg6[%get3A_299, %get3A_300] {strides = array<i32>} : memref<64x512xf32, #tpu.memory_space<vmem>>, vector<1x16xf32>,
        %get3A_302 = vector.shape_cast %get3A_301 : vector<1x16xf32> to vector<16xf32>
        %add3A_303 = arith.addf %scan3A_252, %get3A_302 : vector<16xf32>
        %get3A_304 = arith.index_cast %scan3A_247 : i32 to index
        %get3A_305 = arith.constant 80 : index
        %get3A_306 = tpu.vector_load %arg6[%get3A_304, %get3A_305] {strides = array<i32>} : memref<64x512xf32, #tpu.memory_space<vmem>>, vector<1x16xf32>,
        %get3A_307 = vector.shape_cast %get3A_306 : vector<1x16xf32> to vector<16xf32>
        %add3A_308 = arith.addf %scan3A_253, %get3A_307 : vector<16xf32>
        %get3A_309 = arith.index_cast %scan3A_247 : i32 to index
        %get3A_310 = arith.constant 96 : index
        %get3A_311 = tpu.vector_load %arg6[%get3A_309, %get3A_310] {strides = array<i32>} : memref<64x512xf32, #tpu.memory_space<vmem>>, vector<1x16xf32>,
        %get3A_312 = vector.shape_cast %get3A_311 : vector<1x16xf32> to vector<16xf32>
        %add3A_313 = arith.addf %scan3A_254, %get3A_312 : vector<16xf32>
        %get3A_314 = arith.index_cast %scan3A_247 : i32 to index
        %get3A_315 = arith.constant 112 : index
        %get3A_316 = tpu.vector_load %arg6[%get3A_314, %get3A_315] {strides = array<i32>} : memref<64x512xf32, #tpu.memory_space<vmem>>, vector<1x16xf32>,
        %get3A_317 = vector.shape_cast %get3A_316 : vector<1x16xf32> to vector<16xf32>
        %add3A_318 = arith.addf %scan3A_255, %get3A_317 : vector<16xf32>
        %get3A_319 = arith.index_cast %scan3A_247 : i32 to index
        %get3A_320 = arith.constant 128 : index
        %get3A_321 = tpu.vector_load %arg6[%get3A_319, %get3A_320] {strides = array<i32>} : memref<64x512xf32, #tpu.memory_space<vmem>>, vector<1x16xf32>,
        %get3A_322 = vector.shape_cast %get3A_321 : vector<1x16xf32> to vector<16xf32>
        %add3A_323 = arith.addf %scan3A_256, %get3A_322 : vector<16xf32>
        %get3A_324 = arith.index_cast %scan3A_247 : i32 to index
        %get3A_325 = arith.constant 144 : index
        %get3A_326 = tpu.vector_load %arg6[%get3A_324, %get3A_325] {strides = array<i32>} : memref<64x512xf32, #tpu.memory_space<vmem>>, vector<1x16xf32>,
        %get3A_327 = vector.shape_cast %get3A_326 : vector<1x16xf32> to vector<16xf32>
        %add3A_328 = arith.addf %scan3A_257, %get3A_327 : vector<16xf32>
        %get3A_329 = arith.index_cast %scan3A_247 : i32 to index
        %get3A_330 = arith.constant 160 : index
        %get3A_331 = tpu.vector_load %arg6[%get3A_329, %get3A_330] {strides = array<i32>} : memref<64x512xf32, #tpu.memory_space<vmem>>, vector<1x16xf32>,
        %get3A_332 = vector.shape_cast %get3A_331 : vector<1x16xf32> to vector<16xf32>
        %add3A_333 = arith.addf %scan3A_258, %get3A_332 : vector<16xf32>
        %get3A_334 = arith.index_cast %scan3A_247 : i32 to index
        %get3A_335 = arith.constant 176 : index
        %get3A_336 = tpu.vector_load %arg6[%get3A_334, %get3A_335] {strides = array<i32>} : memref<64x512xf32, #tpu.memory_space<vmem>>, vector<1x16xf32>,
        %get3A_337 = vector.shape_cast %get3A_336 : vector<1x16xf32> to vector<16xf32>
        %add3A_338 = arith.addf %scan3A_259, %get3A_337 : vector<16xf32>
        %get3A_339 = arith.index_cast %scan3A_247 : i32 to index
        %get3A_340 = arith.constant 192 : index
        %get3A_341 = tpu.vector_load %arg6[%get3A_339, %get3A_340] {strides = array<i32>} : memref<64x512xf32, #tpu.memory_space<vmem>>, vector<1x16xf32>,
        %get3A_342 = vector.shape_cast %get3A_341 : vector<1x16xf32> to vector<16xf32>
        %add3A_343 = arith.addf %scan3A_260, %get3A_342 : vector<16xf32>
        %get3A_344 = arith.index_cast %scan3A_247 : i32 to index
        %get3A_345 = arith.constant 208 : index
        %get3A_346 = tpu.vector_load %arg6[%get3A_344, %get3A_345] {strides = array<i32>} : memref<64x512xf32, #tpu.memory_space<vmem>>, vector<1x16xf32>,
        %get3A_347 = vector.shape_cast %get3A_346 : vector<1x16xf32> to vector<16xf32>
        %add3A_348 = arith.addf %scan3A_261, %get3A_347 : vector<16xf32>
        %get3A_349 = arith.index_cast %scan3A_247 : i32 to index
        %get3A_350 = arith.constant 224 : index
        %get3A_351 = tpu.vector_load %arg6[%get3A_349, %get3A_350] {strides = array<i32>} : memref<64x512xf32, #tpu.memory_space<vmem>>, vector<1x16xf32>,
        %get3A_352 = vector.shape_cast %get3A_351 : vector<1x16xf32> to vector<16xf32>
        %add3A_353 = arith.addf %scan3A_262, %get3A_352 : vector<16xf32>
        %get3A_354 = arith.index_cast %scan3A_247 : i32 to index
        %get3A_355 = arith.constant 240 : index
        %get3A_356 = tpu.vector_load %arg6[%get3A_354, %get3A_355] {strides = array<i32>} : memref<64x512xf32, #tpu.memory_space<vmem>>, vector<1x16xf32>,
        %get3A_357 = vector.shape_cast %get3A_356 : vector<1x16xf32> to vector<16xf32>
        %add3A_358 = arith.addf %scan3A_263, %get3A_357 : vector<16xf32>
        %get3A_359 = arith.index_cast %scan3A_247 : i32 to index
        %get3A_360 = arith.constant 256 : index
        %get3A_361 = tpu.vector_load %arg6[%get3A_359, %get3A_360] {strides = array<i32>} : memref<64x512xf32, #tpu.memory_space<vmem>>, vector<1x16xf32>,
        %get3A_362 = vector.shape_cast %get3A_361 : vector<1x16xf32> to vector<16xf32>
        %add3A_363 = arith.addf %scan3A_264, %get3A_362 : vector<16xf32>
        %get3A_364 = arith.index_cast %scan3A_247 : i32 to index
        %get3A_365 = arith.constant 272 : index
        %get3A_366 = tpu.vector_load %arg6[%get3A_364, %get3A_365] {strides = array<i32>} : memref<64x512xf32, #tpu.memory_space<vmem>>, vector<1x16xf32>,
        %get3A_367 = vector.shape_cast %get3A_366 : vector<1x16xf32> to vector<16xf32>
        %add3A_368 = arith.addf %scan3A_265, %get3A_367 : vector<16xf32>
        %get3A_369 = arith.index_cast %scan3A_247 : i32 to index
        %get3A_370 = arith.constant 288 : index
        %get3A_371 = tpu.vector_load %arg6[%get3A_369, %get3A_370] {strides = array<i32>} : memref<64x512xf32, #tpu.memory_space<vmem>>, vector<1x16xf32>,
        %get3A_372 = vector.shape_cast %get3A_371 : vector<1x16xf32> to vector<16xf32>
        %add3A_373 = arith.addf %scan3A_266, %get3A_372 : vector<16xf32>
        %get3A_374 = arith.index_cast %scan3A_247 : i32 to index
        %get3A_375 = arith.constant 304 : index
        %get3A_376 = tpu.vector_load %arg6[%get3A_374, %get3A_375] {strides = array<i32>} : memref<64x512xf32, #tpu.memory_space<vmem>>, vector<1x16xf32>,
        %get3A_377 = vector.shape_cast %get3A_376 : vector<1x16xf32> to vector<16xf32>
        %add3A_378 = arith.addf %scan3A_267, %get3A_377 : vector<16xf32>
        %get3A_379 = arith.index_cast %scan3A_247 : i32 to index
        %get3A_380 = arith.constant 320 : index
        %get3A_381 = tpu.vector_load %arg6[%get3A_379, %get3A_380] {strides = array<i32>} : memref<64x512xf32, #tpu.memory_space<vmem>>, vector<1x16xf32>,
        %get3A_382 = vector.shape_cast %get3A_381 : vector<1x16xf32> to vector<16xf32>
        %add3A_383 = arith.addf %scan3A_268, %get3A_382 : vector<16xf32>
        %get3A_384 = arith.index_cast %scan3A_247 : i32 to index
        %get3A_385 = arith.constant 336 : index
        %get3A_386 = tpu.vector_load %arg6[%get3A_384, %get3A_385] {strides = array<i32>} : memref<64x512xf32, #tpu.memory_space<vmem>>, vector<1x16xf32>,
        %get3A_387 = vector.shape_cast %get3A_386 : vector<1x16xf32> to vector<16xf32>
        %add3A_388 = arith.addf %scan3A_269, %get3A_387 : vector<16xf32>
        %get3A_389 = arith.index_cast %scan3A_247 : i32 to index
        %get3A_390 = arith.constant 352 : index
        %get3A_391 = tpu.vector_load %arg6[%get3A_389, %get3A_390] {strides = array<i32>} : memref<64x512xf32, #tpu.memory_space<vmem>>, vector<1x16xf32>,
        %get3A_392 = vector.shape_cast %get3A_391 : vector<1x16xf32> to vector<16xf32>
        %add3A_393 = arith.addf %scan3A_270, %get3A_392 : vector<16xf32>
        %get3A_394 = arith.index_cast %scan3A_247 : i32 to index
        %get3A_395 = arith.constant 368 : index
        %get3A_396 = tpu.vector_load %arg6[%get3A_394, %get3A_395] {strides = array<i32>} : memref<64x512xf32, #tpu.memory_space<vmem>>, vector<1x16xf32>,
        %get3A_397 = vector.shape_cast %get3A_396 : vector<1x16xf32> to vector<16xf32>
        %add3A_398 = arith.addf %scan3A_271, %get3A_397 : vector<16xf32>
        %get3A_399 = arith.index_cast %scan3A_247 : i32 to index
        %get3A_400 = arith.constant 384 : index
        %get3A_401 = tpu.vector_load %arg6[%get3A_399, %get3A_400] {strides = array<i32>} : memref<64x512xf32, #tpu.memory_space<vmem>>, vector<1x16xf32>,
        %get3A_402 = vector.shape_cast %get3A_401 : vector<1x16xf32> to vector<16xf32>
        %add3A_403 = arith.addf %scan3A_272, %get3A_402 : vector<16xf32>
        %get3A_404 = arith.index_cast %scan3A_247 : i32 to index
        %get3A_405 = arith.constant 400 : index
        %get3A_406 = tpu.vector_load %arg6[%get3A_404, %get3A_405] {strides = array<i32>} : memref<64x512xf32, #tpu.memory_space<vmem>>, vector<1x16xf32>,
        %get3A_407 = vector.shape_cast %get3A_406 : vector<1x16xf32> to vector<16xf32>
        %add3A_408 = arith.addf %scan3A_273, %get3A_407 : vector<16xf32>
        %get3A_409 = arith.index_cast %scan3A_247 : i32 to index
        %get3A_410 = arith.constant 416 : index
        %get3A_411 = tpu.vector_load %arg6[%get3A_409, %get3A_410] {strides = array<i32>} : memref<64x512xf32, #tpu.memory_space<vmem>>, vector<1x16xf32>,
        %get3A_412 = vector.shape_cast %get3A_411 : vector<1x16xf32> to vector<16xf32>
        %add3A_413 = arith.addf %scan3A_274, %get3A_412 : vector<16xf32>
        %get3A_414 = arith.index_cast %scan3A_247 : i32 to index
        %get3A_415 = arith.constant 432 : index
        %get3A_416 = tpu.vector_load %arg6[%get3A_414, %get3A_415] {strides = array<i32>} : memref<64x512xf32, #tpu.memory_space<vmem>>, vector<1x16xf32>,
        %get3A_417 = vector.shape_cast %get3A_416 : vector<1x16xf32> to vector<16xf32>
        %add3A_418 = arith.addf %scan3A_275, %get3A_417 : vector<16xf32>
        %get3A_419 = arith.index_cast %scan3A_247 : i32 to index
        %get3A_420 = arith.constant 448 : index
        %get3A_421 = tpu.vector_load %arg6[%get3A_419, %get3A_420] {strides = array<i32>} : memref<64x512xf32, #tpu.memory_space<vmem>>, vector<1x16xf32>,
        %get3A_422 = vector.shape_cast %get3A_421 : vector<1x16xf32> to vector<16xf32>
        %add3A_423 = arith.addf %scan3A_276, %get3A_422 : vector<16xf32>
        %get3A_424 = arith.index_cast %scan3A_247 : i32 to index
        %get3A_425 = arith.constant 464 : index
        %get3A_426 = tpu.vector_load %arg6[%get3A_424, %get3A_425] {strides = array<i32>} : memref<64x512xf32, #tpu.memory_space<vmem>>, vector<1x16xf32>,
        %get3A_427 = vector.shape_cast %get3A_426 : vector<1x16xf32> to vector<16xf32>
        %add3A_428 = arith.addf %scan3A_277, %get3A_427 : vector<16xf32>
        %get3A_429 = arith.index_cast %scan3A_247 : i32 to index
        %get3A_430 = arith.constant 480 : index
        %get3A_431 = tpu.vector_load %arg6[%get3A_429, %get3A_430] {strides = array<i32>} : memref<64x512xf32, #tpu.memory_space<vmem>>, vector<1x16xf32>,
        %get3A_432 = vector.shape_cast %get3A_431 : vector<1x16xf32> to vector<16xf32>
        %add3A_433 = arith.addf %scan3A_278, %get3A_432 : vector<16xf32>
        %get3A_434 = arith.index_cast %scan3A_247 : i32 to index
        %get3A_435 = arith.constant 496 : index
        %get3A_436 = tpu.vector_load %arg6[%get3A_434, %get3A_435] {strides = array<i32>} : memref<64x512xf32, #tpu.memory_space<vmem>>, vector<1x16xf32>,
        %get3A_437 = vector.shape_cast %get3A_436 : vector<1x16xf32> to vector<16xf32>
        %add3A_438 = arith.addf %scan3A_279, %get3A_437 : vector<16xf32>
        scf.yield %add3A_283, %add3A_288, %add3A_293, %add3A_298, %add3A_303, %add3A_308, %add3A_313, %add3A_318, %add3A_323, %add3A_328, %add3A_333, %add3A_338, %add3A_343, %add3A_348, %add3A_353, %add3A_358, %add3A_363, %add3A_368, %add3A_373, %add3A_378, %add3A_383, %add3A_388, %add3A_393, %add3A_398, %add3A_403, %add3A_408, %add3A_413, %add3A_418, %add3A_423, %add3A_428, %add3A_433, %add3A_438 : vector<16xf32>, vector<16xf32>, vector<16xf32>, vector<16xf32>, vector<16xf32>, vector<16xf32>, vector<16xf32>, vector<16xf32>, vector<16xf32>, vector<16xf32>, vector<16xf32>, vector<16xf32>, vector<16xf32>, vector<16xf32>, vector<16xf32>, vector<16xf32>, vector<16xf32>, vector<16xf32>, vector<16xf32>, vector<16xf32>, vector<16xf32>, vector<16xf32>, vector<16xf32>, vector<16xf32>, vector<16xf32>, vector<16xf32>, vector<16xf32>, vector<16xf32>, vector<16xf32>, vector<16xf32>, vector<16xf32>, vector<16xf32>
      }
      %scan3A_87 = arith.constant 64 : i32
      %swap3A = arith.index_cast %scan3A_8 : i32 to index
      %swap3A_88 = arith.constant 0 : index
      %swap3A_89 = tpu.vector_load %arg7[%swap3A, %swap3A_88] {strides = array<i32>} : memref<64x512xf32, #tpu.memory_space<vmem>>, vector<1x16xf32>,
      %swap3A_90 = vector.shape_cast %swap3A_89 : vector<1x16xf32> to vector<16xf32>
      %swap3A_91 = vector.shape_cast %scan3A_86#0 : vector<16xf32> to vector<1x16xf32>
      tpu.vector_store %arg7[%swap3A, %swap3A_88], %swap3A_91 {strides = array<i32>} : memref<64x512xf32, #tpu.memory_space<vmem>>, vector<1x16xf32>,
      %swap3A_92 = arith.index_cast %scan3A_8 : i32 to index
      %swap3A_93 = arith.constant 16 : index
      %swap3A_94 = tpu.vector_load %arg7[%swap3A_92, %swap3A_93] {strides = array<i32>} : memref<64x512xf32, #tpu.memory_space<vmem>>, vector<1x16xf32>,
      %swap3A_95 = vector.shape_cast %swap3A_94 : vector<1x16xf32> to vector<16xf32>
      %swap3A_96 = vector.shape_cast %scan3A_86#1 : vector<16xf32> to vector<1x16xf32>
      tpu.vector_store %arg7[%swap3A_92, %swap3A_93], %swap3A_96 {strides = array<i32>} : memref<64x512xf32, #tpu.memory_space<vmem>>, vector<1x16xf32>,
      %swap3A_97 = arith.index_cast %scan3A_8 : i32 to index
      %swap3A_98 = arith.constant 32 : index
      %swap3A_99 = tpu.vector_load %arg7[%swap3A_97, %swap3A_98] {strides = array<i32>} : memref<64x512xf32, #tpu.memory_space<vmem>>, vector<1x16xf32>,
      %swap3A_100 = vector.shape_cast %swap3A_99 : vector<1x16xf32> to vector<16xf32>
      %swap3A_101 = vector.shape_cast %scan3A_86#2 : vector<16xf32> to vector<1x16xf32>
      tpu.vector_store %arg7[%swap3A_97, %swap3A_98], %swap3A_101 {strides = array<i32>} : memref<64x512xf32, #tpu.memory_space<vmem>>, vector<1x16xf32>,
      %swap3A_102 = arith.index_cast %scan3A_8 : i32 to index
      %swap3A_103 = arith.constant 48 : index
      %swap3A_104 = tpu.vector_load %arg7[%swap3A_102, %swap3A_103] {strides = array<i32>} : memref<64x512xf32, #tpu.memory_space<vmem>>, vector<1x16xf32>,
      %swap3A_105 = vector.shape_cast %swap3A_104 : vector<1x16xf32> to vector<16xf32>
      %swap3A_106 = vector.shape_cast %scan3A_86#3 : vector<16xf32> to vector<1x16xf32>
      tpu.vector_store %arg7[%swap3A_102, %swap3A_103], %swap3A_106 {strides = array<i32>} : memref<64x512xf32, #tpu.memory_space<vmem>>, vector<1x16xf32>,
      %swap3A_107 = arith.index_cast %scan3A_8 : i32 to index
      %swap3A_108 = arith.constant 64 : index
      %swap3A_109 = tpu.vector_load %arg7[%swap3A_107, %swap3A_108] {strides = array<i32>} : memref<64x512xf32, #tpu.memory_space<vmem>>, vector<1x16xf32>,
      %swap3A_110 = vector.shape_cast %swap3A_109 : vector<1x16xf32> to vector<16xf32>
      %swap3A_111 = vector.shape_cast %scan3A_86#4 : vector<16xf32> to vector<1x16xf32>
      tpu.vector_store %arg7[%swap3A_107, %swap3A_108], %swap3A_111 {strides = array<i32>} : memref<64x512xf32, #tpu.memory_space<vmem>>, vector<1x16xf32>,
      %swap3A_112 = arith.index_cast %scan3A_8 : i32 to index
      %swap3A_113 = arith.constant 80 : index
      %swap3A_114 = tpu.vector_load %arg7[%swap3A_112, %swap3A_113] {strides = array<i32>} : memref<64x512xf32, #tpu.memory_space<vmem>>, vector<1x16xf32>,
      %swap3A_115 = vector.shape_cast %swap3A_114 : vector<1x16xf32> to vector<16xf32>
      %swap3A_116 = vector.shape_cast %scan3A_86#5 : vector<16xf32> to vector<1x16xf32>
      tpu.vector_store %arg7[%swap3A_112, %swap3A_113], %swap3A_116 {strides = array<i32>} : memref<64x512xf32, #tpu.memory_space<vmem>>, vector<1x16xf32>,
      %swap3A_117 = arith.index_cast %scan3A_8 : i32 to index
      %swap3A_118 = arith.constant 96 : index
      %swap3A_119 = tpu.vector_load %arg7[%swap3A_117, %swap3A_118] {strides = array<i32>} : memref<64x512xf32, #tpu.memory_space<vmem>>, vector<1x16xf32>,
      %swap3A_120 = vector.shape_cast %swap3A_119 : vector<1x16xf32> to vector<16xf32>
      %swap3A_121 = vector.shape_cast %scan3A_86#6 : vector<16xf32> to vector<1x16xf32>
      tpu.vector_store %arg7[%swap3A_117, %swap3A_118], %swap3A_121 {strides = array<i32>} : memref<64x512xf32, #tpu.memory_space<vmem>>, vector<1x16xf32>,
      %swap3A_122 = arith.index_cast %scan3A_8 : i32 to index
      %swap3A_123 = arith.constant 112 : index
      %swap3A_124 = tpu.vector_load %arg7[%swap3A_122, %swap3A_123] {strides = array<i32>} : memref<64x512xf32, #tpu.memory_space<vmem>>, vector<1x16xf32>,
      %swap3A_125 = vector.shape_cast %swap3A_124 : vector<1x16xf32> to vector<16xf32>
      %swap3A_126 = vector.shape_cast %scan3A_86#7 : vector<16xf32> to vector<1x16xf32>
      tpu.vector_store %arg7[%swap3A_122, %swap3A_123], %swap3A_126 {strides = array<i32>} : memref<64x512xf32, #tpu.memory_space<vmem>>, vector<1x16xf32>,
      %swap3A_127 = arith.index_cast %scan3A_8 : i32 to index
      %swap3A_128 = arith.constant 128 : index
      %swap3A_129 = tpu.vector_load %arg7[%swap3A_127, %swap3A_128] {strides = array<i32>} : memref<64x512xf32, #tpu.memory_space<vmem>>, vector<1x16xf32>,
      %swap3A_130 = vector.shape_cast %swap3A_129 : vector<1x16xf32> to vector<16xf32>
      %swap3A_131 = vector.shape_cast %scan3A_86#8 : vector<16xf32> to vector<1x16xf32>
      tpu.vector_store %arg7[%swap3A_127, %swap3A_128], %swap3A_131 {strides = array<i32>} : memref<64x512xf32, #tpu.memory_space<vmem>>, vector<1x16xf32>,
      %swap3A_132 = arith.index_cast %scan3A_8 : i32 to index
      %swap3A_133 = arith.constant 144 : index
      %swap3A_134 = tpu.vector_load %arg7[%swap3A_132, %swap3A_133] {strides = array<i32>} : memref<64x512xf32, #tpu.memory_space<vmem>>, vector<1x16xf32>,
      %swap3A_135 = vector.shape_cast %swap3A_134 : vector<1x16xf32> to vector<16xf32>
      %swap3A_136 = vector.shape_cast %scan3A_86#9 : vector<16xf32> to vector<1x16xf32>
      tpu.vector_store %arg7[%swap3A_132, %swap3A_133], %swap3A_136 {strides = array<i32>} : memref<64x512xf32, #tpu.memory_space<vmem>>, vector<1x16xf32>,
      %swap3A_137 = arith.index_cast %scan3A_8 : i32 to index
      %swap3A_138 = arith.constant 160 : index
      %swap3A_139 = tpu.vector_load %arg7[%swap3A_137, %swap3A_138] {strides = array<i32>} : memref<64x512xf32, #tpu.memory_space<vmem>>, vector<1x16xf32>,
      %swap3A_140 = vector.shape_cast %swap3A_139 : vector<1x16xf32> to vector<16xf32>
      %swap3A_141 = vector.shape_cast %scan3A_86#10 : vector<16xf32> to vector<1x16xf32>
      tpu.vector_store %arg7[%swap3A_137, %swap3A_138], %swap3A_141 {strides = array<i32>} : memref<64x512xf32, #tpu.memory_space<vmem>>, vector<1x16xf32>,
      %swap3A_142 = arith.index_cast %scan3A_8 : i32 to index
      %swap3A_143 = arith.constant 176 : index
      %swap3A_144 = tpu.vector_load %arg7[%swap3A_142, %swap3A_143] {strides = array<i32>} : memref<64x512xf32, #tpu.memory_space<vmem>>, vector<1x16xf32>,
      %swap3A_145 = vector.shape_cast %swap3A_144 : vector<1x16xf32> to vector<16xf32>
      %swap3A_146 = vector.shape_cast %scan3A_86#11 : vector<16xf32> to vector<1x16xf32>
      tpu.vector_store %arg7[%swap3A_142, %swap3A_143], %swap3A_146 {strides = array<i32>} : memref<64x512xf32, #tpu.memory_space<vmem>>, vector<1x16xf32>,
      %swap3A_147 = arith.index_cast %scan3A_8 : i32 to index
      %swap3A_148 = arith.constant 192 : index
      %swap3A_149 = tpu.vector_load %arg7[%swap3A_147, %swap3A_148] {strides = array<i32>} : memref<64x512xf32, #tpu.memory_space<vmem>>, vector<1x16xf32>,
      %swap3A_150 = vector.shape_cast %swap3A_149 : vector<1x16xf32> to vector<16xf32>
      %swap3A_151 = vector.shape_cast %scan3A_86#12 : vector<16xf32> to vector<1x16xf32>
      tpu.vector_store %arg7[%swap3A_147, %swap3A_148], %swap3A_151 {strides = array<i32>} : memref<64x512xf32, #tpu.memory_space<vmem>>, vector<1x16xf32>,
      %swap3A_152 = arith.index_cast %scan3A_8 : i32 to index
      %swap3A_153 = arith.constant 208 : index
      %swap3A_154 = tpu.vector_load %arg7[%swap3A_152, %swap3A_153] {strides = array<i32>} : memref<64x512xf32, #tpu.memory_space<vmem>>, vector<1x16xf32>,
      %swap3A_155 = vector.shape_cast %swap3A_154 : vector<1x16xf32> to vector<16xf32>
      %swap3A_156 = vector.shape_cast %scan3A_86#13 : vector<16xf32> to vector<1x16xf32>
      tpu.vector_store %arg7[%swap3A_152, %swap3A_153], %swap3A_156 {strides = array<i32>} : memref<64x512xf32, #tpu.memory_space<vmem>>, vector<1x16xf32>,
      %swap3A_157 = arith.index_cast %scan3A_8 : i32 to index
      %swap3A_158 = arith.constant 224 : index
      %swap3A_159 = tpu.vector_load %arg7[%swap3A_157, %swap3A_158] {strides = array<i32>} : memref<64x512xf32, #tpu.memory_space<vmem>>, vector<1x16xf32>,
      %swap3A_160 = vector.shape_cast %swap3A_159 : vector<1x16xf32> to vector<16xf32>
      %swap3A_161 = vector.shape_cast %scan3A_86#14 : vector<16xf32> to vector<1x16xf32>
      tpu.vector_store %arg7[%swap3A_157, %swap3A_158], %swap3A_161 {strides = array<i32>} : memref<64x512xf32, #tpu.memory_space<vmem>>, vector<1x16xf32>,
      %swap3A_162 = arith.index_cast %scan3A_8 : i32 to index
      %swap3A_163 = arith.constant 240 : index
      %swap3A_164 = tpu.vector_load %arg7[%swap3A_162, %swap3A_163] {strides = array<i32>} : memref<64x512xf32, #tpu.memory_space<vmem>>, vector<1x16xf32>,
      %swap3A_165 = vector.shape_cast %swap3A_164 : vector<1x16xf32> to vector<16xf32>
      %swap3A_166 = vector.shape_cast %scan3A_86#15 : vector<16xf32> to vector<1x16xf32>
      tpu.vector_store %arg7[%swap3A_162, %swap3A_163], %swap3A_166 {strides = array<i32>} : memref<64x512xf32, #tpu.memory_space<vmem>>, vector<1x16xf32>,
      %swap3A_167 = arith.index_cast %scan3A_8 : i32 to index
      %swap3A_168 = arith.constant 256 : index
      %swap3A_169 = tpu.vector_load %arg7[%swap3A_167, %swap3A_168] {strides = array<i32>} : memref<64x512xf32, #tpu.memory_space<vmem>>, vector<1x16xf32>,
      %swap3A_170 = vector.shape_cast %swap3A_169 : vector<1x16xf32> to vector<16xf32>
      %swap3A_171 = vector.shape_cast %scan3A_86#16 : vector<16xf32> to vector<1x16xf32>
      tpu.vector_store %arg7[%swap3A_167, %swap3A_168], %swap3A_171 {strides = array<i32>} : memref<64x512xf32, #tpu.memory_space<vmem>>, vector<1x16xf32>,
      %swap3A_172 = arith.index_cast %scan3A_8 : i32 to index
      %swap3A_173 = arith.constant 272 : index
      %swap3A_174 = tpu.vector_load %arg7[%swap3A_172, %swap3A_173] {strides = array<i32>} : memref<64x512xf32, #tpu.memory_space<vmem>>, vector<1x16xf32>,
      %swap3A_175 = vector.shape_cast %swap3A_174 : vector<1x16xf32> to vector<16xf32>
      %swap3A_176 = vector.shape_cast %scan3A_86#17 : vector<16xf32> to vector<1x16xf32>
      tpu.vector_store %arg7[%swap3A_172, %swap3A_173], %swap3A_176 {strides = array<i32>} : memref<64x512xf32, #tpu.memory_space<vmem>>, vector<1x16xf32>,
      %swap3A_177 = arith.index_cast %scan3A_8 : i32 to index
      %swap3A_178 = arith.constant 288 : index
      %swap3A_179 = tpu.vector_load %arg7[%swap3A_177, %swap3A_178] {strides = array<i32>} : memref<64x512xf32, #tpu.memory_space<vmem>>, vector<1x16xf32>,
      %swap3A_180 = vector.shape_cast %swap3A_179 : vector<1x16xf32> to vector<16xf32>
      %swap3A_181 = vector.shape_cast %scan3A_86#18 : vector<16xf32> to vector<1x16xf32>
      tpu.vector_store %arg7[%swap3A_177, %swap3A_178], %swap3A_181 {strides = array<i32>} : memref<64x512xf32, #tpu.memory_space<vmem>>, vector<1x16xf32>,
      %swap3A_182 = arith.index_cast %scan3A_8 : i32 to index
      %swap3A_183 = arith.constant 304 : index
      %swap3A_184 = tpu.vector_load %arg7[%swap3A_182, %swap3A_183] {strides = array<i32>} : memref<64x512xf32, #tpu.memory_space<vmem>>, vector<1x16xf32>,
      %swap3A_185 = vector.shape_cast %swap3A_184 : vector<1x16xf32> to vector<16xf32>
      %swap3A_186 = vector.shape_cast %scan3A_86#19 : vector<16xf32> to vector<1x16xf32>
      tpu.vector_store %arg7[%swap3A_182, %swap3A_183], %swap3A_186 {strides = array<i32>} : memref<64x512xf32, #tpu.memory_space<vmem>>, vector<1x16xf32>,
      %swap3A_187 = arith.index_cast %scan3A_8 : i32 to index
      %swap3A_188 = arith.constant 320 : index
      %swap3A_189 = tpu.vector_load %arg7[%swap3A_187, %swap3A_188] {strides = array<i32>} : memref<64x512xf32, #tpu.memory_space<vmem>>, vector<1x16xf32>,
      %swap3A_190 = vector.shape_cast %swap3A_189 : vector<1x16xf32> to vector<16xf32>
      %swap3A_191 = vector.shape_cast %scan3A_86#20 : vector<16xf32> to vector<1x16xf32>
      tpu.vector_store %arg7[%swap3A_187, %swap3A_188], %swap3A_191 {strides = array<i32>} : memref<64x512xf32, #tpu.memory_space<vmem>>, vector<1x16xf32>,
      %swap3A_192 = arith.index_cast %scan3A_8 : i32 to index
      %swap3A_193 = arith.constant 336 : index
      %swap3A_194 = tpu.vector_load %arg7[%swap3A_192, %swap3A_193] {strides = array<i32>} : memref<64x512xf32, #tpu.memory_space<vmem>>, vector<1x16xf32>,
      %swap3A_195 = vector.shape_cast %swap3A_194 : vector<1x16xf32> to vector<16xf32>
      %swap3A_196 = vector.shape_cast %scan3A_86#21 : vector<16xf32> to vector<1x16xf32>
      tpu.vector_store %arg7[%swap3A_192, %swap3A_193], %swap3A_196 {strides = array<i32>} : memref<64x512xf32, #tpu.memory_space<vmem>>, vector<1x16xf32>,
      %swap3A_197 = arith.index_cast %scan3A_8 : i32 to index
      %swap3A_198 = arith.constant 352 : index
      %swap3A_199 = tpu.vector_load %arg7[%swap3A_197, %swap3A_198] {strides = array<i32>} : memref<64x512xf32, #tpu.memory_space<vmem>>, vector<1x16xf32>,
      %swap3A_200 = vector.shape_cast %swap3A_199 : vector<1x16xf32> to vector<16xf32>
      %swap3A_201 = vector.shape_cast %scan3A_86#22 : vector<16xf32> to vector<1x16xf32>
      tpu.vector_store %arg7[%swap3A_197, %swap3A_198], %swap3A_201 {strides = array<i32>} : memref<64x512xf32, #tpu.memory_space<vmem>>, vector<1x16xf32>,
      %swap3A_202 = arith.index_cast %scan3A_8 : i32 to index
      %swap3A_203 = arith.constant 368 : index
      %swap3A_204 = tpu.vector_load %arg7[%swap3A_202, %swap3A_203] {strides = array<i32>} : memref<64x512xf32, #tpu.memory_space<vmem>>, vector<1x16xf32>,
      %swap3A_205 = vector.shape_cast %swap3A_204 : vector<1x16xf32> to vector<16xf32>
      %swap3A_206 = vector.shape_cast %scan3A_86#23 : vector<16xf32> to vector<1x16xf32>
      tpu.vector_store %arg7[%swap3A_202, %swap3A_203], %swap3A_206 {strides = array<i32>} : memref<64x512xf32, #tpu.memory_space<vmem>>, vector<1x16xf32>,
      %swap3A_207 = arith.index_cast %scan3A_8 : i32 to index
      %swap3A_208 = arith.constant 384 : index
      %swap3A_209 = tpu.vector_load %arg7[%swap3A_207, %swap3A_208] {strides = array<i32>} : memref<64x512xf32, #tpu.memory_space<vmem>>, vector<1x16xf32>,
      %swap3A_210 = vector.shape_cast %swap3A_209 : vector<1x16xf32> to vector<16xf32>
      %swap3A_211 = vector.shape_cast %scan3A_86#24 : vector<16xf32> to vector<1x16xf32>
      tpu.vector_store %arg7[%swap3A_207, %swap3A_208], %swap3A_211 {strides = array<i32>} : memref<64x512xf32, #tpu.memory_space<vmem>>, vector<1x16xf32>,
      %swap3A_212 = arith.index_cast %scan3A_8 : i32 to index
      %swap3A_213 = arith.constant 400 : index
      %swap3A_214 = tpu.vector_load %arg7[%swap3A_212, %swap3A_213] {strides = array<i32>} : memref<64x512xf32, #tpu.memory_space<vmem>>, vector<1x16xf32>,
      %swap3A_215 = vector.shape_cast %swap3A_214 : vector<1x16xf32> to vector<16xf32>
      %swap3A_216 = vector.shape_cast %scan3A_86#25 : vector<16xf32> to vector<1x16xf32>
      tpu.vector_store %arg7[%swap3A_212, %swap3A_213], %swap3A_216 {strides = array<i32>} : memref<64x512xf32, #tpu.memory_space<vmem>>, vector<1x16xf32>,
      %swap3A_217 = arith.index_cast %scan3A_8 : i32 to index
      %swap3A_218 = arith.constant 416 : index
      %swap3A_219 = tpu.vector_load %arg7[%swap3A_217, %swap3A_218] {strides = array<i32>} : memref<64x512xf32, #tpu.memory_space<vmem>>, vector<1x16xf32>,
      %swap3A_220 = vector.shape_cast %swap3A_219 : vector<1x16xf32> to vector<16xf32>
      %swap3A_221 = vector.shape_cast %scan3A_86#26 : vector<16xf32> to vector<1x16xf32>
      tpu.vector_store %arg7[%swap3A_217, %swap3A_218], %swap3A_221 {strides = array<i32>} : memref<64x512xf32, #tpu.memory_space<vmem>>, vector<1x16xf32>,
      %swap3A_222 = arith.index_cast %scan3A_8 : i32 to index
      %swap3A_223 = arith.constant 432 : index
      %swap3A_224 = tpu.vector_load %arg7[%swap3A_222, %swap3A_223] {strides = array<i32>} : memref<64x512xf32, #tpu.memory_space<vmem>>, vector<1x16xf32>,
      %swap3A_225 = vector.shape_cast %swap3A_224 : vector<1x16xf32> to vector<16xf32>
      %swap3A_226 = vector.shape_cast %scan3A_86#27 : vector<16xf32> to vector<1x16xf32>
      tpu.vector_store %arg7[%swap3A_222, %swap3A_223], %swap3A_226 {strides = array<i32>} : memref<64x512xf32, #tpu.memory_space<vmem>>, vector<1x16xf32>,
      %swap3A_227 = arith.index_cast %scan3A_8 : i32 to index
      %swap3A_228 = arith.constant 448 : index
      %swap3A_229 = tpu.vector_load %arg7[%swap3A_227, %swap3A_228] {strides = array<i32>} : memref<64x512xf32, #tpu.memory_space<vmem>>, vector<1x16xf32>,
      %swap3A_230 = vector.shape_cast %swap3A_229 : vector<1x16xf32> to vector<16xf32>
      %swap3A_231 = vector.shape_cast %scan3A_86#28 : vector<16xf32> to vector<1x16xf32>
      tpu.vector_store %arg7[%swap3A_227, %swap3A_228], %swap3A_231 {strides = array<i32>} : memref<64x512xf32, #tpu.memory_space<vmem>>, vector<1x16xf32>,
      %swap3A_232 = arith.index_cast %scan3A_8 : i32 to index
      %swap3A_233 = arith.constant 464 : index
      %swap3A_234 = tpu.vector_load %arg7[%swap3A_232, %swap3A_233] {strides = array<i32>} : memref<64x512xf32, #tpu.memory_space<vmem>>, vector<1x16xf32>,
      %swap3A_235 = vector.shape_cast %swap3A_234 : vector<1x16xf32> to vector<16xf32>
      %swap3A_236 = vector.shape_cast %scan3A_86#29 : vector<16xf32> to vector<1x16xf32>
      tpu.vector_store %arg7[%swap3A_232, %swap3A_233], %swap3A_236 {strides = array<i32>} : memref<64x512xf32, #tpu.memory_space<vmem>>, vector<1x16xf32>,
      %swap3A_237 = arith.index_cast %scan3A_8 : i32 to index
      %swap3A_238 = arith.constant 480 : index
      %swap3A_239 = tpu.vector_load %arg7[%swap3A_237, %swap3A_238] {strides = array<i32>} : memref<64x512xf32, #tpu.memory_space<vmem>>, vector<1x16xf32>,
      %swap3A_240 = vector.shape_cast %swap3A_239 : vector<1x16xf32> to vector<16xf32>
      %swap3A_241 = vector.shape_cast %scan3A_86#30 : vector<16xf32> to vector<1x16xf32>
      tpu.vector_store %arg7[%swap3A_237, %swap3A_238], %swap3A_241 {strides = array<i32>} : memref<64x512xf32, #tpu.memory_space<vmem>>, vector<1x16xf32>,
      %swap3A_242 = arith.index_cast %scan3A_8 : i32 to index
      %swap3A_243 = arith.constant 496 : index
      %swap3A_244 = tpu.vector_load %arg7[%swap3A_242, %swap3A_243] {strides = array<i32>} : memref<64x512xf32, #tpu.memory_space<vmem>>, vector<1x16xf32>,
      %swap3A_245 = vector.shape_cast %swap3A_244 : vector<1x16xf32> to vector<16xf32>
      %swap3A_246 = vector.shape_cast %scan3A_86#31 : vector<16xf32> to vector<1x16xf32>
      tpu.vector_store %arg7[%swap3A_242, %swap3A_243], %swap3A_246 {strides = array<i32>} : memref<64x512xf32, #tpu.memory_space<vmem>>, vector<1x16xf32>,
    }
    %scan3A_7 = arith.constant 64 : i32
    "tpu.region"() ({
      %run_scoped3A = tpu.sem_alloc : memref<!tpu.dma_semaphore, #tpu.memory_space<semaphore_mem>>
      %dma_start3A = arith.constant 0 : i32
      %dma_start3A_8 = tpu.memref_slice %arg4[%mul3A_2, %dma_start3A] : memref<2048x512xf32, #tpu.memory_space<hbm>> -> memref<64x512xf32, #tpu.memory_space<hbm>>
      %dma_start3A_9 = arith.constant 0 : i32
      %dma_start3A_10 = tpu.memref_slice %arg4[%mul3A_2, %dma_start3A_9] : memref<2048x512xf32, #tpu.memory_space<hbm>> -> memref<64x512xf32, #tpu.memory_space<hbm>>
      tpu.enqueue_dma source(%arg7 : memref<64x512xf32, #tpu.memory_space<vmem>>) target(%dma_start3A_10 : memref<64x512xf32, #tpu.memory_space<hbm>>) target_semaphore(%run_scoped3A : memref<!tpu.dma_semaphore, #tpu.memory_space<semaphore_mem>>)
      %dma_wait3A = arith.constant 0 : i32
      %dma_wait3A_11 = tpu.memref_slice %arg4[%mul3A_2, %dma_wait3A] : memref<2048x512xf32, #tpu.memory_space<hbm>> -> memref<64x512xf32, #tpu.memory_space<hbm>>
      %dma_wait3A_12 = arith.constant 0 : i32
      %dma_wait3A_13 = tpu.memref_slice %arg4[%mul3A_2, %dma_wait3A_12] : memref<2048x512xf32, #tpu.memory_space<hbm>> -> memref<64x512xf32, #tpu.memory_space<hbm>>
      tpu.wait_dma2 semaphore(%run_scoped3A : memref<!tpu.dma_semaphore, #tpu.memory_space<semaphore_mem>>) src(%arg7 : memref<64x512xf32, #tpu.memory_space<vmem>>) dst(%dma_wait3A_13 : memref<64x512xf32, #tpu.memory_space<hbm>>)
      tpu.yield
    }) : () -> ()
    return
  }
}

module attributes {stable_mosaic.version = 14 : i64} {
  func.func @_lut_norms_body(%arg0: memref<1024x1024xf32, #tpu.memory_space<vmem>>, %arg1: memref<1024x512xf32, #tpu.memory_space<vmem>>, %arg2: memref<1024x512xf32, #tpu.memory_space<vmem>>, %arg3: memref<1024x1xf32, #tpu.memory_space<vmem>>) attributes {dimension_semantics = [], scalar_prefetch = 0 : i64, scratch_operands = 0 : i64, tpu.core_type = #tpu.core_type<tc>} {
    %get3A = arith.constant 0 : index
    %get3A_0 = arith.constant 0 : index
    %get3A_1 = vector.load %arg0[%get3A, %get3A_0] : memref<1024x1024xf32, #tpu.memory_space<vmem>>, vector<1024x1024xf32>
    %get3A_2 = arith.constant 0 : index
    %get3A_3 = arith.constant 0 : index
    %get3A_4 = vector.load %arg1[%get3A_2, %get3A_3] : memref<1024x512xf32, #tpu.memory_space<vmem>>, vector<1024x512xf32>
    %dot_general3A = arith.constant dense<0.000000e+00> : vector<1024x512xf32>
    %dot_general3A_5 = tpu.matmul %get3A_1, %get3A_4, %dot_general3A {dimension_numbers = #tpu.dot_dimension_numbers<[1], [0], [0], [1], [0, 0, 1, 1], [], []>, transpose_lhs_hint = false} : vector<1024x1024xf32>, vector<1024x512xf32>, vector<1024x512xf32> -> vector<1024x512xf32>
    %swap3A = arith.constant 0 : index
    %swap3A_6 = arith.constant 0 : index
    %swap3A_7 = vector.load %arg2[%swap3A, %swap3A_6] : memref<1024x512xf32, #tpu.memory_space<vmem>>, vector<1024x512xf32>
    tpu.vector_store %arg2[%swap3A, %swap3A_6], %dot_general3A_5 {strides = array<i32>} : memref<1024x512xf32, #tpu.memory_space<vmem>>, vector<1024x512xf32>,
    %mul3A = arith.mulf %get3A_1, %get3A_1 : vector<1024x1024xf32>
    %reduce_sum3A = arith.constant dense<0.000000e+00> : vector<1024xf32>
    %reduce_sum3A_8 = vector.multi_reduction <add>, %mul3A, %reduce_sum3A [1] : vector<1024x1024xf32> to vector<1024xf32>
    %broadcast_in_dim3A = vector.shape_cast %reduce_sum3A_8 : vector<1024xf32> to vector<1024x1xf32>
    %swap3A_9 = arith.constant 0 : index
    %swap3A_10 = arith.constant 0 : index
    %swap3A_11 = vector.load %arg3[%swap3A_9, %swap3A_10] : memref<1024x1xf32, #tpu.memory_space<vmem>>, vector<1024x1xf32>
    tpu.vector_store %arg3[%swap3A_9, %swap3A_10], %broadcast_in_dim3A {strides = array<i32>} : memref<1024x1xf32, #tpu.memory_space<vmem>>, vector<1024x1xf32>,
    return
  }
}

module attributes {stable_mosaic.version = 14 : i64} {
  func.func @_encode_body(%arg0: i32, %arg1: memref<1024x1024xf32, #tpu.memory_space<vmem>>, %arg2: memref<1024x256xf32, #tpu.memory_space<vmem>>, %arg3: memref<1024x1xf32, #tpu.memory_space<vmem>>, %arg4: memref<64x256xi32, #tpu.memory_space<vmem>>) attributes {dimension_semantics = [#tpu.dimension_semantics<arbitrary>], iteration_bounds = array<i64: 8>, scalar_prefetch = 0 : i64, scratch_operands = 0 : i64, tpu.core_type = #tpu.core_type<tc>, window_params = [{pipeline_mode = #tpu.pipeline_mode<synchronous>, transform_indices = @transform_0, window_bounds = array<i64: 1024, 1024>}, {transform_indices = @transform_1, window_bounds = array<i64: 1024, 256>}, {pipeline_mode = #tpu.pipeline_mode<synchronous>, transform_indices = @transform_2, window_bounds = array<i64: 1024, 1>}, {transform_indices = @transform_3, window_bounds = array<i64: 64, 256>}]} {
    %get3A = arith.constant 0 : index
    %get3A_0 = arith.constant 0 : index
    %get3A_1 = vector.load %arg1[%get3A, %get3A_0] : memref<1024x1024xf32, #tpu.memory_space<vmem>>, vector<1024x1024xf32>
    %get3A_2 = arith.constant 0 : index
    %get3A_3 = arith.constant 0 : index
    %get3A_4 = vector.load %arg2[%get3A_2, %get3A_3] : memref<1024x256xf32, #tpu.memory_space<vmem>>, vector<1024x256xf32>
    %dot_general3A = arith.constant dense<0.000000e+00> : vector<1024x256xf32>
    %dot_general3A_5 = tpu.matmul %get3A_1, %get3A_4, %dot_general3A {dimension_numbers = #tpu.dot_dimension_numbers<[1], [0], [0], [1], [0, 0, 1, 1], [], []>, transpose_lhs_hint = false} : vector<1024x1024xf32>, vector<1024x256xf32>, vector<1024x256xf32> -> vector<1024x256xf32>
    %mul3A = arith.constant 2.000000e+00 : f32
    %mul3A_6 = vector.broadcast %mul3A : f32 to vector<1024x256xf32>
    %mul3A_7 = arith.mulf %mul3A_6, %dot_general3A_5 : vector<1024x256xf32>
    %get3A_8 = arith.constant 0 : index
    %get3A_9 = arith.constant 0 : index
    %get3A_10 = vector.load %arg3[%get3A_8, %get3A_9] : memref<1024x1xf32, #tpu.memory_space<vmem>>, vector<1024x1xf32>
    %sub3A = vector.broadcast %get3A_10 : vector<1024x1xf32> to vector<1024x256xf32>
    %sub3A_11 = arith.subf %mul3A_7, %sub3A : vector<1024x256xf32>
    %reshape3A = vector.shape_cast %sub3A_11 : vector<1024x256xf32> to vector<64x16x256xf32>
    %reduce_max3A = arith.constant dense<0xFF800000> : vector<64x256xf32>
    %reduce_max3A_12 = vector.multi_reduction <maximumf>, %reshape3A, %reduce_max3A [1] : vector<64x16x256xf32> to vector<64x256xf32>
    %broadcast_in_dim3A = vector.shape_cast %reduce_max3A_12 : vector<64x256xf32> to vector<64x1x256xf32>
    %iota3A = tpu.iota {dimensions = array<i32: 1>} : vector<64x16x256xi32>
    %eq3A = vector.broadcast %broadcast_in_dim3A : vector<64x1x256xf32> to vector<64x16x256xf32>
    %eq3A_13 = arith.cmpf oeq, %reshape3A, %eq3A : vector<64x16x256xf32>
    %jit3A = arith.constant 16 : i32
    %broadcast_in_dim3A_14 = vector.broadcast %jit3A : i32 to vector<64x16x256xi32>
    %select_n3A = arith.select %eq3A_13, %iota3A, %broadcast_in_dim3A_14 : vector<64x16x256xi1>, vector<64x16x256xi32>
    %reduce_min3A = arith.constant dense<2147483647> : vector<64x256xi32>
    %reduce_min3A_15 = vector.multi_reduction <minsi>, %select_n3A, %reduce_min3A [1] : vector<64x16x256xi32> to vector<64x256xi32>
    %iota3A_16 = tpu.iota {dimensions = array<i32: 0>} : vector<64x256xi32>
    %mul3A_17 = arith.constant 16 : i32
    %mul3A_18 = vector.broadcast %mul3A_17 : i32 to vector<64x256xi32>
    %mul3A_19 = arith.muli %mul3A_18, %iota3A_16 : vector<64x256xi32>
    %add3A = arith.addi %reduce_min3A_15, %mul3A_19 : vector<64x256xi32>
    %swap3A = arith.constant 0 : index
    %swap3A_20 = arith.constant 0 : index
    %swap3A_21 = vector.load %arg4[%swap3A, %swap3A_20] : memref<64x256xi32, #tpu.memory_space<vmem>>, vector<64x256xi32>
    tpu.vector_store %arg4[%swap3A, %swap3A_20], %add3A {strides = array<i32>} : memref<64x256xi32, #tpu.memory_space<vmem>>, vector<64x256xi32>,
    return
  }
  func.func @transform_0(%arg0: i32) -> (i32, i32) {
    %c0_i32 = arith.constant 0 : i32
    %c0_i32_0 = arith.constant 0 : i32
    %c0_i32_1 = arith.constant 0 : i32
    return %c0_i32, %c0_i32_0 : i32, i32
  }
  func.func @transform_1(%arg0: i32) -> (i32, i32) {
    %c0_i32 = arith.constant 0 : i32
    %c0_i32_0 = arith.constant 0 : i32
    return %c0_i32, %arg0 : i32, i32
  }
  func.func @transform_2(%arg0: i32) -> (i32, i32) {
    %c0_i32 = arith.constant 0 : i32
    %c0_i32_0 = arith.constant 0 : i32
    %c0_i32_1 = arith.constant 0 : i32
    return %c0_i32, %c0_i32_0 : i32, i32
  }
  func.func @transform_3(%arg0: i32) -> (i32, i32) {
    %c0_i32 = arith.constant 0 : i32
    %c0_i32_0 = arith.constant 0 : i32
    return %c0_i32, %arg0 : i32, i32
  }
}

</mosaic_0001>

<sc_bundles>
// kernel: kernel.5.cloned.1.call-start
scs
__scs_entry_jumppad:
0x0: {  	(pc) =	sbr.rel $0x88, $3  }
0x1: {  	(tag) =	ssettag $0x0;
	lr =	simm.s32 $0x1  }
0x2: {  	[smem:$0x3F9E] =	sst lr;
	_ =	strace $0xD0000000  }
0x3: {  	_ = 	snop  }
0x4: {  	_ = 	snop  }
0x5: {  	_ = 	snop  }
0x6: {  	_ = 	snop  }
0x7: {  	_ = 	snop  }
__scs_overlays_trampoline_lowered:
0x8: {  	[smem:$0x3FAD] =	sst s0  }
0x9: {  	[smem:$0x3FAE] =	sst s1  }
0xa: {  	[smem:$0x3FAF] =	sst s2  }
0xb: {  	[smem:$0x3FB0] =	sst s3  }
0xc: {  	[smem:$0x3FB1] =	sst s4  }
0xd: {  	[smem:$0x3FB2] =	sst s5  }
0xe: {  	[smem:$0x3FB3] =	sst s6  }
0xf: {  	[smem:$0x3FB4] =	sst s7  }
0x10: {  	[smem:$0x3FB5] =	sst s8  }
0x11: {  	[smem:$0x3FB6] =	sst s9;
	s0 =	simm.s32 @!p0 $0x0  }
0x12: {  	s1 =	sld [smem:$0x3F9C];
	s0 =	simm.s32 @p0 $0x1  }
0x13: {  	[smem:$0x3FB7] =	sst s0;
	s0 =	simm.s32 @!p1 $0x0  }
0x14: {  	s2 =	sld [smem:$0x3F9B];
	s0 =	simm.s32 @p1 $0x1  }
0x15: {  	[smem:$0x3FB8] =	sst s0;
	s0 =	simm.s32 @!p2 $0x0  }
0x16: {  	s3 =	sld [smem:$0x3FDB];
	s0 =	simm.s32 @p2 $0x1  }
0x17: {  	s4 =	simm.s32 $0x1BF5;
	[smem:$0x3FBA] =	sst s0  }
0x18: {  	s0 =	sld [smem:$0x3F9D];
	_ =	swait.ge [sflag:s4], $0x0  }
0x19: {  	s7 =	sld [smem:$0x3F9E]  }
0x1a: {  	s8 =	sadd.s32 $0xFFFFE003, lr  }
0x1b: {  	s9 =	sadd.s32 $0xFFFFFEF7, lr;
	s5 =	simm.s32 $0xFFFFFFFF;
	p2 =	slt.u32 s8, $0xFFFFF086  }
0x1c: {  	p1 =	slt.u32 s9, $0xF7A;
	s5 =	simm.s32 @!p2 $0x0  }
0x1d: {  	s5 =	simm.s32 @p1 $0x1;
	p0 =	seq.s32 s7, s2  }
0x1e: {  	s7 =	smul.u32 @!p0 $0xF7A, s2;
	p2 =	seq.s32 @!p0 s5, $0x0  }
0x1f: {  	s9 =	smul.u32 $0xF7A, s1;
	s8 =	simm.s32 @!p0 $0x1BF5;
	p2 =	por !p2, p0  }
0x20: {  	[sflag:s8] =	ssyncset.s32 @!p0 $0xFFFFF086;
	s6 =	sadd.s32 @!p0 s3, s7;
	s7 =	simm.s32 @!p0 $0x108  }
0x21: {  	s3 =	sadd.s32 s3, s9;
	s6 =	sadd.s32 @!p0 $0x88, s6;
	s7 =	simm.s32 @p2 $0x1082  }
0x22: {  	[simem:s7], [sflag:s8] =	dma.local @!p0 [hbm:s6], $0xF7A  }
0x23: {  	s9 =	sor.u32 $0xD0000000, s2;
	s6 =	simm.s32 $0x108;
	_ =	swait.ge @!p0 [sflag:s8], $0x0  }
0x24: {  	s3 =	sadd.s32 $0x88, s3;
	s6 =	simm.s32 @!p1 $0x1082;
	[sflag:s4] =	ssyncset.s32 $0xFFFFF086  }
0x25: {  	[simem:s6], [sflag:s4] =	dma.local [hbm:s3], $0xF7A  }
0x26: {  	[smem:$0x3F9E] =	sst s1;
	(tag) =	ssettag s2;
	_ =	strace s9  }
0x27: {  	s1 =	sld [smem:$0x3FAE]  }
0x28: {  	s2 =	sld [smem:$0x3FAF]  }
0x29: {  	s4 =	sld [smem:$0x3FB1]  }
0x2a: {  	p0 =	seq.s32 s5, $0x0;
	s5 =	sld [smem:$0x3FB2]  }
0x2b: {  	s6 =	sld [smem:$0x3FB3]  }
0x2c: {  	s7 =	sld [smem:$0x3FB4]  }
0x2d: {  	s3 =	simm.s32 $0x108;
	s8 =	sld [smem:$0x3FB5]  }
0x2e: {  	s3 =	simm.s32 @!p0 $0x1082;
	s9 =	sld [smem:$0x3FB6]  }
0x2f: {  	lr =	sadd.s32 s0, s3;
	s0 =	sld [smem:$0x3FAD]  }
0x30: {  	s3 =	sld [smem:$0x3FB0]  }
0x31: {  	[smem:$0x3FB9] =	sst s10  }
0x32: {  	s10 =	sld [smem:$0x3FB7];
	_ =	sdelay $0x3  }
0x33: {  	p0 =	seq.s32 s10, $0x1;
	s10 =	sld [smem:$0x3FB9];
	_ =	sdelay $0x3  }
0x34: {  	[smem:$0x3FB9] =	sst s10  }
0x35: {  	s10 =	sld [smem:$0x3FB8];
	_ =	sdelay $0x3  }
0x36: {  	p1 =	seq.s32 s10, $0x1;
	s10 =	sld [smem:$0x3FB9];
	_ =	sdelay $0x3  }
0x37: {  	[smem:$0x3FB9] =	sst s10  }
0x38: {  	s10 =	sld [smem:$0x3FBA]  }
0x39: {  	_ = 	snop;
	(pc) =	sbr.ind lr, $3  }
0x3a: {  	_ = 	snop  }
0x3b: {  	_ = 	snop  }
0x3c: {  	p2 =	seq.s32 s10, $0x1;
	s10 =	sld [smem:$0x3FB9]  }
0x3d: {  	_ =	shalt  }
0x3e: {  	_ =	shalt  }
0x3f: {  	_ =	shalt  }
0x40: {  	_ =	shalt  }
0x41: {  	_ =	shalt  }
0x42: {  	_ =	shalt  }
0x43: {  	_ =	shalt  }
0x44: {  	_ =	shalt  }
0x45: {  	_ =	shalt  }
0x46: {  	_ =	shalt  }
0x47: {  	_ =	shalt  }
0x48: {  	_ =	shalt  }
0x49: {  	_ =	shalt  }
0x4a: {  	_ =	shalt  }
0x4b: {  	_ =	shalt  }
0x4c: {  	_ =	shalt  }
0x4d: {  	_ =	shalt  }
0x4e: {  	_ =	shalt  }
0x4f: {  	_ =	shalt  }
0x50: {  	_ =	shalt  }
0x51: {  	_ =	shalt  }
0x52: {  	_ =	shalt  }
0x53: {  	_ =	shalt  }
0x54: {  	_ =	shalt  }
0x55: {  	_ =	shalt  }
0x56: {  	_ =	shalt  }
0x57: {  	_ =	shalt  }
0x58: {  	_ =	shalt  }
0x59: {  	_ =	shalt  }
0x5a: {  	_ =	shalt  }
0x5b: {  	_ =	shalt  }
0x5c: {  	_ =	shalt  }
0x5d: {  	_ =	shalt  }
0x5e: {  	_ =	shalt  }
0x5f: {  	_ =	shalt  }
0x60: {  	_ =	shalt  }
0x61: {  	_ =	shalt  }
0x62: {  	_ =	shalt  }
0x63: {  	_ =	shalt  }
0x64: {  	_ =	shalt  }
0x65: {  	_ =	shalt  }
0x66: {  	_ =	shalt  }
0x67: {  	_ =	shalt  }
0x68: {  	_ =	shalt  }
0x69: {  	_ =	shalt  }
0x6a: {  	_ =	shalt  }
0x6b: {  	_ =	shalt  }
0x6c: {  	_ =	shalt  }
0x6d: {  	_ =	shalt  }
0x6e: {  	_ =	shalt  }
0x6f: {  	_ =	shalt  }
0x70: {  	_ =	shalt  }
0x71: {  	_ =	shalt  }
0x72: {  	_ =	shalt  }
0x73: {  	_ =	shalt  }
0x74: {  	_ =	shalt  }
0x75: {  	_ =	shalt  }
0x76: {  	_ =	shalt  }
0x77: {  	_ =	shalt  }
0x78: {  	_ =	shalt  }
0x79: {  	_ =	shalt  }
0x7a: {  	_ =	shalt  }
0x7b: {  	_ =	shalt  }
0x7c: {  	_ =	shalt  }
0x7d: {  	_ =	shalt  }
0x7e: {  	_ =	shalt  }
0x7f: {  	_ =	shalt  }
0x80: {  	_ =	shalt  }
0x81: {  	_ =	shalt  }
0x82: {  	_ =	shalt  }
0x83: {  	_ =	shalt  }
0x84: {  	_ =	shalt  }
0x85: {  	_ =	shalt  }
0x86: {  	_ =	shalt  }
0x87: {  	_ =	shalt  }
.Lfunc_end0:
.L_simem_size_0:
called_computation_lowered:
.L_overlay_start_0:
0x88: {  	s2 =	sld [smem:$0x3FD9]  }
0x89: {  	s3 =	sld [smem:$0x3FFE];
	_ =	sdelay $0x1  }
0x8a: {  	s1 =	srdreg.scid  }
0x8b: {  	s0 =	sand.u32 $0x1, s1  }
0x8c: {  	s17 =	sshll.u32 s0, $0xA;
	s2 =	sadd.s32 s3, s2  }
0x8d: {  	s2 =	sadd.s32 s2, s17  }
0x8e: {  	[smem:$0x3FC5] =	sst s2  }
0x8f: {  	_ = 	snop  }
0x90: {  	s2 =	sld [smem:$0x3FD0];
	(tm) =	ssettm $0x1  }
0x91: {  	s18 =	sld [smem:$0x3FFB];
	_ =	sdelay $0x3  }
0x92: {  	_ =	strace s18  }
0x93: {  	s3 =	sld [smem:$0x3FFC];
	_ =	sdelay $0x3  }
0x94: {  	_ =	strace s3  }
0x95: {  	s3 =	sld [smem:$0x3FFD];
	_ =	sdelay $0x3  }
0x96: {  	_ =	strace s3  }
0x97: {  	_ =	strace $0x8FFFFFFF  }
0x98: {  	s19 =	sld [smem:$0x3FDB];
	_ =	sdelay $0x1  }
0x99: {  	s4 =	simm.s32 $_scs_section_size  }
0x9a: {  	s5 =	simm.s32 $_size__tile_overlayer_lowered;
	s6 =	simm.s32 $_tile_overlayer_lowered  }
0x9b: {  	s22 =	simm.s32 $0x1BFF;
	s21 =	sshll.u32 s6, $0x1;
	s3 =	sadd.s32 s4, s19  }
0x9c: {  	s7 =	simm.s32 $0x0;
	s20 =	sshll.u32 s5, $0x1;
	s5 =	sadd.s32 s21, s3  }
0x9d: {  	[timem:s7], [sflag:s22] =	dma.local [hbm:s5], s20  }
0x9e: {  	_ =	swait.ge [sflag:s22], s20  }
0x9f: {  	s4 =	ssub.s32 $0x0, s20;
	[sflag:s22] =	ssyncset.done $0x0  }
0xa0: {  	[sflag:s22] =	ssyncadd.s32 s4;
	_ =	sdelay $0x1  }
0xa1: {  	s23 =	simm.s32 $0x1B8B  }
0xa2: {  	_ =	swait.ge [sflag:s23], $0x1  }
0xa3: {  	[sflag:s23] =	ssyncset.done $0x0  }
0xa4: {  	s25 =	simm.s32 $0x1B8E;
	s24 =	sld [smem:$0x3FFE];
	[sflag:s23] =	ssyncadd.s32 $0xFFFFFFFF  }
0xa5: {  	s26 =	simm.s32 $execute0_lowered;
	[smem:$0x3FD2] =	sst s25  }
0xa6: {  	s5 =	sshll.u32 s26, $0x1;
	_ =	strace $0x80000046;
	[dreg:$0x1] =	wrdreg $0xFFFFFFFF  }
0xa7: {  	s28 =	simm.s32 $_size_execute0_lowered;
	s3 =	sadd.s32 s3, s5;
	[dreg:$0x0] =	wrdreg $0x0  }
0xa8: {  	s5 =	sshll.u32 s28, $0x1;
	[dreg:$0x2] =	wrdreg s3  }
0xa9: {  	[dreg:$0x3] =	wrdreg s5  }
0xaa: {  	[dreg:$0x4] =	wrdreg $0xC0  }
0xab: {  	_ =	task [dreg:s7], $0x5FFFF  }
0xac: {  	[dreg:$0x1] =	wrdreg $0xFFFFFFFF  }
0xad: {  	[dreg:$0x0] =	wrdreg $0x60  }
0xae: {  	[dreg:$0x2] =	wrdreg s24  }
0xaf: {  	[dreg:$0x3] =	wrdreg s2  }
0xb0: {  	[dreg:$0x4] =	wrdreg $0x9  }
0xb1: {  	_ =	task.clear_ibuf [dreg:s7], $0x5FFFF;
	_ =	strace $0x90000046  }
0xb2: {  	s29 =	simm.s32 $0x9;
	_ =	strace $0x80000048  }
0xb3: {  	_ =	swait.ge [sflag:s29], $0x1  }
0xb4: {  	[sflag:s29] =	ssyncadd.s32 $0xFFFFFFFF  }
0xb5: {  	_ =	strace $0x90000048  }
0xb6: {  	_ =	sfence  }
0xb7: {  	s30 =	sld [smem:$0x0];
	_ =	sdelay $0x2  }
0xb8: {  	s31 =	sshll.u32 s1, $0xD;
	s1 =	sshrl.u32 s1, $0x2  }
0xb9: {  	s3 =	sand.u32 $0x4000, s31;
	s1 =	sadd.s32 s1, s30  }
0xba: {  	s0 =	sor.u32 s3, s0;
	s1 =	sshll.u32 s1, $0x11  }
0xbb: {  	s0 =	sor.u32 s1, s0  }
0xbc: {  	s0 =	sadd.s32 $0x8F2B, s0  }
0xbd: {  	[sflag:s0] =	ssyncadd.remote.s32 $0x1  }
0xbe: {  	_ =	sfence.sel $0xFFFF  }
0xbf: {  	[dreg:$0x0] =	wrdreg $0xFFFFFFFF;
	(pc) =	sbr.abs _section_cstart, $3  }
0xc0: {  	[dreg:$0x1] =	wrdreg $0xFFFFFFFF  }
0xc1: {  	_ =	task.clear_ibuf [dreg:s7], $0x2FFFF;
	_ =	strace $0x9FFFFFFF  }
0xc2: {  	(tm) =	ssettm $0x7FFFFFFF  }
0xc3: {  	_ =	shalt  }
tec
execute0_lowered:
.L_overlay_start_1:
0x0: {  	(tag) =	ssettag $0x1  }
0x1: {  	s0 =	srdreg.scid;
	s1 =	rddreg [dreg:$0x0]  }
0x2: {  	s3 =	stileid.u32;
	s2 =	rddreg [dreg:$0x1];
	s26 =	simm.s32 $0x0  }
0x3: {  	s8 =	simm.s32 $0x2;
	s9 =	simm.s32 $0x2000;
	s10 =	simm.s32 $0x2800  }
0x4: {  	s11 =	simm.s32 $0x3000;
	s12 =	simm.s32 $0x3800;
	s13 =	simm.s32 $0x4000  }
0x5: {  	s14 =	simm.s32 $0x4800;
	s15 =	simm.s32 $0x5000;
	s16 =	simm.s32 $0x5800  }
0x6: {  	s17 =	simm.s32 $0x6000;
	s18 =	simm.s32 $0x6800;
	s19 =	simm.s32 $0x7000  }
0x7: {  	s20 =	simm.s32 $0x7800;
	s21 =	simm.s32 $0x8000;
	s22 =	simm.s32 $0x8800  }
0x8: {  	s23 =	simm.s32 $0x9000;
	s24 =	simm.s32 $0x9800;
	s25 =	simm.s32 $0x1  }
0x9: {  	s28 =	simm.s32 $0x0;
	s0 =	sand.u32 $0x1, s0;
	s3 =	sshll.u32 s3, $0x7  }
0xa: {  	v2 =	vlaneseq.u32;
	[smem:$0x7FF] =	sst s26;
	s4 =	sshll.u32 s0, $0x6;
	s0 =	ssub.s32 $0x2, s0  }
0xb: {  	v0 =	vand.u32 $0x7, v2;
	v1 =	vshrl.u32 v2, $0x3;
	_ =	strace $0x80000047;
	s4 =	sor.u32 s4, s3;
	s6 =	sshrl.u32 s0, $0x1  }
0xc: {  	v63 =	vor.u32 $0x8, v2;
	[tilespmem:$0x1FFD0] =	vst v0;
	v62 =	vmul.u32 $0x8, v1;
	s3 =	sshll.u32 s4, $0x4;
	s0 =	ssub.s32 s0, s6;
	s31 =	sshll.u32 s4, $0x6  }
0xd: {  	[tilespmem:$0x1FFF0] =	vst v63;
	s5 =	sadd.s32 s3, s1;
	s3 =	sadd.s32 $0xC00, s1;
	s6 =	sadd.s32 s2, s31  }
0xe: {  	vm0 =	vmmov $0xffff;
	[tilespmem:$0x1FFE0] =	vst v62;
	s7 =	smax.u32 s0, $0x1;
	s4 =	sadd.s32 $0x10C00, s5;
	s5 =	sadd.s32 $0xD00, s1  }
.LBB2_1:
0xf: {  	[tilespmem:s26], [sflag:$0x2] =	stream.linear.gather [hbm4b:s4+s26], $0x2000, $0x38;
	[tilespmem:$0x12000] =	vst v63  }
0x10: {  	_ =	swait.ge [sflag:s8], $0x2000  }
0x11: {  	[sflag:s8] =	ssyncset.done $0x0  }
0x12: {  	s29 =	simm.s32 $0x0;
	[sflag:s8] =	ssyncadd.s32 $0xFFFFE000  }
.LBB2_2:
0x13: {  	s30 =	sshll.u32 s29, $0x9  }
0x14: {  	s0 =	sshrl.u32 s30, $0x2  }
0x15: {  	v3 =	vld [tilespmem:s0+$0x0];
	_ =	sdelay $0x2  }
0x16: {  	v0 =	vld [tilespmem:$0x1FFD0];
	_ =	sdelay $0x1  }
0x17: {  	v1 =	vld [tilespmem:$0x1FFE0];
	v4 =	vshll.u32 v3, $0x2  }
0x18: {  	v3 =	vand.u32 $0x7, v3;
	v4 =	vand.u32 $0xFFFFFFE0, v4  }
0x19: {  	v2 =	vld [tilespmem:$0x1FFF0];
	v3 =	vor.u32 v3, v4  }
0x1a: {  	v4 =	vperm.xlane v3, v0;
	_ =	sdelay $0x1  }
0x1b: {  	v4 =	vadd.s32 v1, v4;
	_ =	sdelay $0x1  }
0x1c: {  	v3 =	vperm.xlane v3, v2;
	_ =	sdelay $0x1  }
0x1d: {  	s1 =	simm.s32 $0x0;
	v3 =	vadd.s32 v1, v3  }
0x1e: {  	[tilespmem:s9], [sflag:$0x1] =	stream.indirect_vreg.gather [hbm4b:s3+s1], $0x80, v4, vm0, $0xb8;
	[tilespmem:$0x12000] =	vst v63  }
0x1f: {  	_ = 	snop  }
0x20: {  	[tilespmem:s10], [sflag:$0x1] =	stream.indirect_vreg.gather [hbm4b:s5+s1], $0x80, v4, vm0, $0xb8;
	[tilespmem:$0x12000] =	vst v63  }
0x21: {  	_ = 	snop  }
0x22: {  	[tilespmem:s11], [sflag:$0x1] =	stream.indirect_vreg.gather [hbm4b:s3+s1], $0x80, v3, vm0, $0xb8;
	[tilespmem:$0x12000] =	vst v63  }
0x23: {  	_ = 	snop  }
0x24: {  	[tilespmem:s12], [sflag:$0x1] =	stream.indirect_vreg.gather [hbm4b:s5+s1], $0x80, v3, vm0, $0xb8;
	[tilespmem:$0x12000] =	vst v63  }
0x25: {  	v3 =	vld [tilespmem:s0+$0x10];
	_ =	sdelay $0x4  }
0x26: {  	v4 =	vshll.u32 v3, $0x2  }
0x27: {  	v3 =	vand.u32 $0x7, v3;
	v4 =	vand.u32 $0xFFFFFFE0, v4  }
0x28: {  	v3 =	vor.u32 v3, v4  }
0x29: {  	v4 =	vperm.xlane v3, v0;
	_ =	sdelay $0x1  }
0x2a: {  	v4 =	vadd.s32 v1, v4;
	_ =	sdelay $0x1  }
0x2b: {  	v3 =	vperm.xlane v3, v2;
	_ =	sdelay $0x1  }
0x2c: {  	v3 =	vadd.s32 v1, v3  }
0x2d: {  	[tilespmem:s13], [sflag:$0x1] =	stream.indirect_vreg.gather [hbm4b:s3+s1], $0x80, v4, vm0, $0xb8;
	[tilespmem:$0x12000] =	vst v63  }
0x2e: {  	_ = 	snop  }
0x2f: {  	[tilespmem:s14], [sflag:$0x1] =	stream.indirect_vreg.gather [hbm4b:s5+s1], $0x80, v4, vm0, $0xb8;
	[tilespmem:$0x12000] =	vst v63  }
0x30: {  	_ = 	snop  }
0x31: {  	[tilespmem:s15], [sflag:$0x1] =	stream.indirect_vreg.gather [hbm4b:s3+s1], $0x80, v3, vm0, $0xb8;
	[tilespmem:$0x12000] =	vst v63  }
0x32: {  	_ = 	snop  }
0x33: {  	[tilespmem:s16], [sflag:$0x1] =	stream.indirect_vreg.gather [hbm4b:s5+s1], $0x80, v3, vm0, $0xb8;
	[tilespmem:$0x12000] =	vst v63  }
0x34: {  	v3 =	vld [tilespmem:s0+$0x20];
	_ =	sdelay $0x4  }
0x35: {  	v4 =	vshll.u32 v3, $0x2  }
0x36: {  	v3 =	vand.u32 $0x7, v3;
	v4 =	vand.u32 $0xFFFFFFE0, v4  }
0x37: {  	v3 =	vor.u32 v3, v4  }
0x38: {  	v4 =	vperm.xlane v3, v0;
	_ =	sdelay $0x1  }
0x39: {  	v4 =	vadd.s32 v1, v4;
	_ =	sdelay $0x1  }
0x3a: {  	v3 =	vperm.xlane v3, v2;
	_ =	sdelay $0x1  }
0x3b: {  	v3 =	vadd.s32 v1, v3  }
0x3c: {  	[tilespmem:s17], [sflag:$0x1] =	stream.indirect_vreg.gather [hbm4b:s3+s1], $0x80, v4, vm0, $0xb8;
	[tilespmem:$0x12000] =	vst v63  }
0x3d: {  	_ = 	snop  }
0x3e: {  	[tilespmem:s18], [sflag:$0x1] =	stream.indirect_vreg.gather [hbm4b:s5+s1], $0x80, v4, vm0, $0xb8;
	[tilespmem:$0x12000] =	vst v63  }
0x3f: {  	_ = 	snop  }
0x40: {  	[tilespmem:s19], [sflag:$0x1] =	stream.indirect_vreg.gather [hbm4b:s3+s1], $0x80, v3, vm0, $0xb8;
	[tilespmem:$0x12000] =	vst v63  }
0x41: {  	_ = 	snop  }
0x42: {  	[tilespmem:s20], [sflag:$0x1] =	stream.indirect_vreg.gather [hbm4b:s5+s1], $0x80, v3, vm0, $0xb8;
	[tilespmem:$0x12000] =	vst v63  }
0x43: {  	v3 =	vld [tilespmem:s0+$0x30];
	_ =	sdelay $0x4  }
0x44: {  	v4 =	vshll.u32 v3, $0x2  }
0x45: {  	v3 =	vand.u32 $0x7, v3;
	v4 =	vand.u32 $0xFFFFFFE0, v4  }
0x46: {  	v3 =	vor.u32 v3, v4  }
0x47: {  	v4 =	vperm.xlane v3, v0;
	_ =	sdelay $0x1  }
0x48: {  	v4 =	vadd.s32 v1, v4;
	_ =	sdelay $0x1  }
0x49: {  	v3 =	vperm.xlane v3, v2;
	_ =	sdelay $0x1  }
0x4a: {  	v3 =	vadd.s32 v1, v3  }
0x4b: {  	[tilespmem:s21], [sflag:$0x1] =	stream.indirect_vreg.gather [hbm4b:s3+s1], $0x80, v4, vm0, $0xb8;
	[tilespmem:$0x12000] =	vst v63  }
0x4c: {  	_ = 	snop  }
0x4d: {  	[tilespmem:s22], [sflag:$0x1] =	stream.indirect_vreg.gather [hbm4b:s5+s1], $0x80, v4, vm0, $0xb8;
	[tilespmem:$0x12000] =	vst v63  }
0x4e: {  	_ = 	snop  }
0x4f: {  	[tilespmem:s23], [sflag:$0x1] =	stream.indirect_vreg.gather [hbm4b:s3+s1], $0x80, v3, vm0, $0xb8;
	[tilespmem:$0x12000] =	vst v63  }
0x50: {  	_ = 	snop  }
0x51: {  	[tilespmem:s24], [sflag:$0x1] =	stream.indirect_vreg.gather [hbm4b:s5+s1], $0x80, v3, vm0, $0xb8;
	[tilespmem:$0x12000] =	vst v63  }
0x52: {  	_ =	swait.ge [sflag:s25], $0x8000  }
0x53: {  	s2 =	sand.u32 $0x7000, s1;
	s1 =	sand.u32 $0x380, s1;
	[sflag:s25] =	ssyncset.done $0x0  }
0x54: {  	s31 =	sor.u32 s1, s2;
	[sflag:s25] =	ssyncadd.s32 $0xFFFF8000  }
0x55: {  	v3 =	vld [tilespmem:s31+$0x2C70]  }
0x56: {  	v5 =	vld [tilespmem:s31+$0x2000]  }
0x57: {  	v6 =	vld [tilespmem:s31+$0x2010]  }
0x58: {  	v7 =	vld [tilespmem:s31+$0x2020]  }
0x59: {  	v8 =	vld [tilespmem:s31+$0x2030]  }
0x5a: {  	v9 =	vld [tilespmem:s31+$0x2040]  }
0x5b: {  	v10 =	vld [tilespmem:s31+$0x2050]  }
0x5c: {  	v11 =	vld [tilespmem:s31+$0x2060]  }
0x5d: {  	v12 =	vld [tilespmem:s31+$0x2070]  }
0x5e: {  	v13 =	vld [tilespmem:s31+$0x2400]  }
0x5f: {  	v14 =	vld [tilespmem:s31+$0x2410]  }
0x60: {  	v15 =	vld [tilespmem:s31+$0x2420]  }
0x61: {  	v16 =	vld [tilespmem:s31+$0x2430]  }
0x62: {  	v17 =	vld [tilespmem:s31+$0x2440]  }
0x63: {  	v18 =	vld [tilespmem:s31+$0x2450]  }
0x64: {  	v19 =	vld [tilespmem:s31+$0x2460]  }
0x65: {  	v35 =	vld [tilespmem:s31+$0x2470]  }
0x66: {  	v4 =	vimm.f32 $0.0e+00;
	v36 =	vld [tilespmem:s31+$0x2800]  }
0x67: {  	v3 =	vadd.f32 v3, v4;
	v34 =	vadd.f32 v5, v4;
	v5 =	vld [tilespmem:s31+$0x2810]  }
0x68: {  	v33 =	vadd.f32 v6, v4;
	v32 =	vadd.f32 v7, v4;
	v6 =	vld [tilespmem:s31+$0x2820]  }
0x69: {  	v30 =	vadd.f32 v8, v4;
	v31 =	vadd.f32 v9, v4;
	v7 =	vld [tilespmem:s31+$0x2830]  }
0x6a: {  	v28 =	vadd.f32 v10, v4;
	v29 =	vadd.f32 v11, v4;
	v8 =	vld [tilespmem:s31+$0x2840]  }
0x6b: {  	v26 =	vadd.f32 v12, v4;
	v27 =	vadd.f32 v13, v4;
	v9 =	vld [tilespmem:s31+$0x2850]  }
0x6c: {  	v24 =	vadd.f32 v14, v4;
	v25 =	vadd.f32 v15, v4;
	v10 =	vld [tilespmem:s31+$0x2860]  }
0x6d: {  	v22 =	vadd.f32 v16, v4;
	v23 =	vadd.f32 v17, v4;
	v11 =	vld [tilespmem:s31+$0x2870]  }
0x6e: {  	v20 =	vadd.f32 v18, v4;
	v21 =	vadd.f32 v19, v4;
	v14 =	vld [tilespmem:s31+$0x2C00]  }
0x6f: {  	v18 =	vadd.f32 v35, v4;
	v19 =	vadd.f32 v36, v4  }
0x70: {  	v38 =	vld [tilespmem:s31+$0x2C10];
	v17 =	vadd.f32 v5, v4;
	v16 =	vadd.f32 v6, v4  }
0x71: {  	v37 =	vld [tilespmem:s31+$0x2C20];
	v12 =	vadd.f32 v7, v4;
	v13 =	vadd.f32 v8, v4  }
0x72: {  	v35 =	vld [tilespmem:s31+$0x2C30];
	v15 =	vimm.f32 $0.0e+00;
	v9 =	vadd.f32 v9, v4;
	v10 =	vadd.f32 v10, v4  }
0x73: {  	s26 =	simm.s32 $0x200;
	s1 =	simm.s32 $0x80;
	v36 =	vld [tilespmem:s31+$0x2C40];
	v6 =	vadd.f32 v11, v4;
	v11 =	vadd.f32 v14, v4;
	v14 =	vimm.f32 $0.0e+00  }
0x74: {  	s26 =	sand.u32 $0x7000, s26;
	s0 =	simm.s32 $0x400;
	s2 =	sand.u32 $0x380, s1;
	v39 =	vld [tilespmem:s31+$0x2C50];
	v7 =	vimm.f32 $0.0e+00;
	v8 =	vimm.f32 $0.0e+00;
	v5 =	vimm.f32 $0.0e+00  }
.LBB2_3:
0x75: {  	p0 =	sne.s32 s0, $0x7E00;
	v4 =	vadd.f32 v38, v4;
	v38 =	vld [tilespmem:s31+$0x2C60];
	s31 =	sor.u32 s2, s26  }
0x76: {  	v40 =	vld [tilespmem:s31+$0x2C70];
	v14 =	vadd.f32 v37, v14  }
0x77: {  	v37 =	vld [tilespmem:s31+$0x2000];
	v7 =	vadd.f32 v35, v7  }
0x78: {  	v35 =	vld [tilespmem:s31+$0x2010];
	v15 =	vadd.f32 v36, v15  }
0x79: {  	v36 =	vld [tilespmem:s31+$0x2020];
	v8 =	vadd.f32 v39, v8  }
0x7a: {  	v39 =	vld [tilespmem:s31+$0x2030];
	v5 =	vadd.f32 v38, v5  }
0x7b: {  	v38 =	vld [tilespmem:s31+$0x2040];
	v3 =	vadd.f32 v40, v3  }
0x7c: {  	v34 =	vadd.f32 v37, v34;
	v37 =	vld [tilespmem:s31+$0x2050]  }
0x7d: {  	v33 =	vadd.f32 v35, v33;
	v35 =	vld [tilespmem:s31+$0x2060]  }
0x7e: {  	v32 =	vadd.f32 v36, v32;
	v36 =	vld [tilespmem:s31+$0x2070]  }
0x7f: {  	v30 =	vadd.f32 v39, v30;
	v39 =	vld [tilespmem:s31+$0x2400]  }
0x80: {  	v31 =	vadd.f32 v38, v31;
	v38 =	vld [tilespmem:s31+$0x2410]  }
0x81: {  	v28 =	vadd.f32 v37, v28;
	v37 =	vld [tilespmem:s31+$0x2420]  }
0x82: {  	v29 =	vadd.f32 v35, v29;
	v35 =	vld [tilespmem:s31+$0x2430]  }
0x83: {  	v26 =	vadd.f32 v36, v26;
	v36 =	vld [tilespmem:s31+$0x2440]  }
0x84: {  	v27 =	vadd.f32 v39, v27;
	v39 =	vld [tilespmem:s31+$0x2450]  }
0x85: {  	v24 =	vadd.f32 v38, v24;
	v38 =	vld [tilespmem:s31+$0x2460]  }
0x86: {  	v25 =	vadd.f32 v37, v25;
	v37 =	vld [tilespmem:s31+$0x2470]  }
0x87: {  	v22 =	vadd.f32 v35, v22;
	v35 =	vld [tilespmem:s31+$0x2800]  }
0x88: {  	v23 =	vadd.f32 v36, v23;
	v36 =	vld [tilespmem:s31+$0x2810]  }
0x89: {  	v20 =	vadd.f32 v39, v20;
	v39 =	vld [tilespmem:s31+$0x2820]  }
0x8a: {  	v21 =	vadd.f32 v38, v21;
	v38 =	vld [tilespmem:s31+$0x2830]  }
0x8b: {  	v18 =	vadd.f32 v37, v18;
	v37 =	vld [tilespmem:s31+$0x2840]  }
0x8c: {  	v19 =	vadd.f32 v35, v19;
	v35 =	vld [tilespmem:s31+$0x2850]  }
0x8d: {  	v17 =	vadd.f32 v36, v17;
	v36 =	vld [tilespmem:s31+$0x2860]  }
0x8e: {  	v16 =	vadd.f32 v39, v16;
	v39 =	vld [tilespmem:s31+$0x2870]  }
0x8f: {  	v12 =	vadd.f32 v38, v12;
	v40 =	vld [tilespmem:s31+$0x2C00]  }
.Ltmp0:
0x90: {  	v13 =	vadd.f32 v37, v13;
	v38 =	vld [tilespmem:s31+$0x2C10];
	(pc) =	sbr.rel @p0 .LBB2_3-.Ltmp0, $4  }
0x91: {  	v9 =	vadd.f32 v35, v9;
	v37 =	vld [tilespmem:s31+$0x2C20]  }
0x92: {  	v10 =	vadd.f32 v36, v10;
	v35 =	vld [tilespmem:s31+$0x2C30]  }
0x93: {  	s1 =	sadd.s32 $0x80, s1;
	v6 =	vadd.f32 v39, v6;
	v36 =	vld [tilespmem:s31+$0x2C40]  }
0x94: {  	s26 =	sand.u32 $0x7000, s0;
	s0 =	sadd.s32 $0x200, s0;
	s2 =	sand.u32 $0x380, s1;
	v11 =	vadd.f32 v40, v11;
	v39 =	vld [tilespmem:s31+$0x2C50]  }
0x95: {  	s1 =	sor.u32 s2, s26;
	v0 =	vld [tilespmem:s31+$0x2C60]  }
0x96: {  	v53 =	vld [tilespmem:s1+$0x2C70]  }
0x97: {  	v42 =	vld [tilespmem:s1+$0x2000]  }
0x98: {  	v43 =	vld [tilespmem:s1+$0x2010]  }
0x99: {  	v44 =	vld [tilespmem:s1+$0x2020]  }
0x9a: {  	v45 =	vld [tilespmem:s1+$0x2030]  }
0x9b: {  	v46 =	vld [tilespmem:s1+$0x2040]  }
0x9c: {  	v47 =	vld [tilespmem:s1+$0x2050]  }
0x9d: {  	v48 =	vld [tilespmem:s1+$0x2060]  }
0x9e: {  	v49 =	vld [tilespmem:s1+$0x2070]  }
0x9f: {  	v50 =	vld [tilespmem:s1+$0x2400]  }
0xa0: {  	v51 =	vld [tilespmem:s1+$0x2410]  }
0xa1: {  	v52 =	vld [tilespmem:s1+$0x2420]  }
0xa2: {  	v54 =	vld [tilespmem:s1+$0x2440]  }
0xa3: {  	v55 =	vld [tilespmem:s1+$0x2450]  }
0xa4: {  	v56 =	vld [tilespmem:s1+$0x2460]  }
0xa5: {  	v57 =	vld [tilespmem:s1+$0x2470]  }
0xa6: {  	v58 =	vld [tilespmem:s1+$0x2800]  }
0xa7: {  	v59 =	vld [tilespmem:s1+$0x2810]  }
0xa8: {  	v60 =	vld [tilespmem:s1+$0x2820]  }
0xa9: {  	v61 =	vld [tilespmem:s1+$0x2830]  }
0xaa: {  	v41 =	vld [tilespmem:s1+$0x2C20]  }
0xab: {  	v62 =	vld [tilespmem:s1+$0x2840]  }
0xac: {  	v63 =	vld [tilespmem:s1+$0x2850]  }
0xad: {  	v2 =	vld [tilespmem:s1+$0x2870]  }
0xae: {  	v1 =	vld [tilespmem:s1+$0x2C00]  }
0xaf: {  	[tilespmem:$0x1FF80] =	vst v41;
	v41 =	vld [tilespmem:s1+$0x2C30]  }
0xb0: {  	v40 =	vld [tilespmem:s1+$0x2C10]  }
0xb1: {  	[tilespmem:$0x1FFA0] =	vst v0;
	v0 =	vld [tilespmem:s1+$0x2860]  }
0xb2: {  	s0 =	sshll.u32 s29, $0x7;
	[tilespmem:$0x1FFC0] =	vst v53;
	v53 =	vld [tilespmem:s1+$0x2430]  }
0xb3: {  	s31 =	sand.u32 $0x7000, s30;
	s0 =	sand.u32 $0x380, s0;
	v34 =	vadd.f32 v42, v34;
	v42 =	vld [tilespmem:s1+$0x2C50]  }
0xb4: {  	s0 =	sor.u32 s0, s31;
	v33 =	vadd.f32 v43, v33;
	v43 =	vld [tilespmem:s1+$0x2C60];
	[tilespmem:$0x1FF90] =	vst v41  }
0xb5: {  	v32 =	vadd.f32 v44, v32;
	v41 =	vld [tilespmem:s1+$0x2C40];
	[tilespmem:s0+$0xA000] =	vst v34  }
0xb6: {  	v30 =	vadd.f32 v45, v30;
	[tilespmem:s0+$0xA010] =	vst v33  }
0xb7: {  	v31 =	vadd.f32 v46, v31;
	[tilespmem:s0+$0xA020] =	vst v32  }
0xb8: {  	v28 =	vadd.f32 v47, v28;
	[tilespmem:s0+$0xA030] =	vst v30  }
0xb9: {  	v29 =	vadd.f32 v48, v29;
	[tilespmem:s0+$0xA040] =	vst v31  }
0xba: {  	v26 =	vadd.f32 v49, v26;
	[tilespmem:s0+$0xA050] =	vst v28  }
0xbb: {  	v27 =	vadd.f32 v50, v27;
	[tilespmem:s0+$0xA060] =	vst v29  }
0xbc: {  	v24 =	vadd.f32 v51, v24;
	[tilespmem:s0+$0xA070] =	vst v26  }
0xbd: {  	v25 =	vadd.f32 v52, v25;
	[tilespmem:s0+$0xA400] =	vst v27  }
0xbe: {  	v23 =	vadd.f32 v54, v23;
	[tilespmem:s0+$0xA410] =	vst v24  }
0xbf: {  	v20 =	vadd.f32 v55, v20;
	[tilespmem:s0+$0xA420] =	vst v25  }
0xc0: {  	v21 =	vadd.f32 v56, v21;
	[tilespmem:s0+$0xA440] =	vst v23  }
0xc1: {  	v18 =	vadd.f32 v57, v18;
	[tilespmem:s0+$0xA450] =	vst v20  }
0xc2: {  	v19 =	vadd.f32 v58, v19;
	[tilespmem:s0+$0xA460] =	vst v21  }
0xc3: {  	v17 =	vadd.f32 v59, v17;
	[tilespmem:s0+$0xA470] =	vst v18  }
0xc4: {  	v16 =	vadd.f32 v60, v16;
	[tilespmem:s0+$0xA800] =	vst v19  }
0xc5: {  	v12 =	vadd.f32 v61, v12;
	[tilespmem:s0+$0xA810] =	vst v17  }
0xc6: {  	v13 =	vadd.f32 v62, v13;
	[tilespmem:s0+$0xA820] =	vst v16  }
0xc7: {  	v9 =	vadd.f32 v63, v9;
	[tilespmem:s0+$0xA830] =	vst v12  }
0xc8: {  	v2 =	vadd.f32 v2, v6;
	[tilespmem:s0+$0xA840] =	vst v13  }
0xc9: {  	v4 =	vadd.f32 v38, v4;
	v60 =	vld [tilespmem:$0x1FFA0];
	[tilespmem:s0+$0xA850] =	vst v9  }
0xca: {  	v1 =	vadd.f32 v1, v11;
	v57 =	vld [tilespmem:$0x1FF80];
	[tilespmem:s0+$0xA870] =	vst v2  }
0xcb: {  	v4 =	vadd.f32 v40, v4;
	[tilespmem:$0x1FFB0] =	vst v41  }
0xcc: {  	v58 =	vadd.f32 v39, v8;
	v0 =	vadd.f32 v0, v10;
	[tilespmem:s0+$0xAC00] =	vst v1;
	v61 =	vld [tilespmem:$0x1FFB0]  }
0xcd: {  	v54 =	vadd.f32 v37, v14;
	v22 =	vadd.f32 v53, v22;
	[tilespmem:s0+$0xAC10] =	vst v4;
	v59 =	vld [tilespmem:$0x1FF90]  }
0xce: {  	v63 =	vld [tilespmem:$0x1FFC0];
	v4 =	vadd.f32 v60, v5;
	v1 =	vadd.f32 v42, v58;
	[tilespmem:s0+$0xA860] =	vst v0  }
0xcf: {  	s29 =	sadd.s32 $0x1, s29;
	v56 =	vadd.f32 v36, v15;
	v6 =	vadd.f32 v57, v54;
	[tilespmem:s0+$0xA430] =	vst v22  }
0xd0: {  	p0 =	sne.s32 s29, $0x40;
	v55 =	vadd.f32 v35, v7;
	v62 =	vadd.f32 v43, v4;
	[tilespmem:s0+$0xAC50] =	vst v1  }
.Ltmp1:
0xd1: {  	[tilespmem:s0+$0xAC20] =	vst v6;
	v2 =	vadd.f32 v61, v56;
	(pc) =	sbr.rel @p0 .LBB2_2-.Ltmp1, $4  }
0xd2: {  	[tilespmem:s0+$0xAC60] =	vst v62;
	v0 =	vadd.f32 v59, v55  }
0xd3: {  	[tilespmem:s0+$0xAC40] =	vst v2;
	v2 =	vadd.f32 v63, v3  }
0xd4: {  	[tilespmem:s0+$0xAC30] =	vst v0  }
0xd5: {  	[tilespmem:s0+$0xAC70] =	vst v2  }
0xd6: {  	s28 =	sadd.s32 $0x1, s28  }
0xd7: {  	p0 =	sne.s32 s28, s7  }
.Ltmp2:
0xd8: {  	s26 =	simm.s32 $0x0;
	s0 =	simm.s32 $0xA000;
	(pc) =	sbr.rel @p0 .LBB2_1-.Ltmp2, $4  }
0xd9: {  	[hbm4b:s6+s26] =	stream.linear.scatter [tilespmem:s0], [sflag:$0x2], $0x8000, $0x38;
	[tilespmem:$0x12000] =	vst v63  }
0xda: {  	_ =	swait.ge [sflag:s8], $0x8000  }
0xdb: {  	[sflag:s8] =	ssyncset.done $0x0  }
0xdc: {  	[sflag:s8] =	ssyncadd.s32 $0xFFFF8000  }
0xdd: {  	_ =	sfence.sel $0x180000  }
0xde: {  	[bflag:$0x0] =	sbarrier.arrive $0xFFFF  }
0xdf: {  	_ =	strace $0x90000047  }
0xe0: {  	s0 =	stileid.u32;
	[bflag:$0x2] =	sbarrier.arrive $0xFFFF  }
0xe1: {  	p0 =	sne.s32 s0, $0x0;
	s0 =	rddreg [dreg:$0x2]  }
0xe2: {  	s0 =	sadd.s32 @!p0 $0x100000, s0  }
0xe3: {  	[sflag:s0] =	ssyncadd.tile.s32 @!p0 $0x1;
	_ =	shalt  }
.Lfunc_end2:
_tile_overlayer_lowered:
.L_overlay_start_2:
0xe4: {  	(tag) =	ssettag $0x2  }
0xe5: {  	s0 =	rddreg [dreg:$0x0];
	s2 =	stileid.u32  }
0xe6: {  	s1 =	rddreg [dreg:$0x1];
	p0 =	sne.s32 s2, $0x0  }
0xe7: {  	s3 =	rddreg [dreg:$0x2];
	[bflag:$0x3] =	sbarrier.arrive $0xFFFF;
	s2 =	simm.s32 @!p0 $0x1C02  }
0xe8: {  	[timem:s3], [sflag:s2] =	dma.local @!p0 [hbm:s0], s1  }
0xe9: {  	s0 =	simm.s32 @!p0 $0x2  }
0xea: {  	_ =	swait.ge @!p0 [sflag:s0], s1  }
0xeb: {  	s1 =	ssub.s32 @!p0 $0x0, s1;
	[sflag:s0] =	ssyncset.done @!p0 $0x0  }
0xec: {  	[sflag:s0] =	ssyncadd.s32 @!p0 s1  }
0xed: {  	[bflag:$0x3] =	sbarrier.arrive $0xFFFF  }
0xee: {  	_ =	shalt  }

</sc_bundles>
